<compile_context>
chip_gen: v7x
topology: tpu7x:2x2x1
jax: 0.10.2.dev20260603
libtpu: 0.0.44.dev20260713+nightly
codegen_flags: <defaults>
</compile_context>

<pallas_src>
import functools

import jax
import jax.numpy as jnp
from jax import lax
from jax.experimental import pallas as pl
from jax.experimental.pallas import tpu as pltpu
from jax.experimental.pallas import tpu_sc as plsc

N = 10000
E = 320000
D = 128

NC = 2
NS = 16
NW = NC * NS

CHUNK = 128
N_PAD = 10240
NCH = -(-E // (CHUNK * NW * 8)) * 8
E_PAD = NCH * CHUNK * NW
EPW = E_PAD // NW
NSL = N_PAD // NS



def _deg_body(ei_ref, deg0_ref, deg1_ref, idx_v, ones_v, zer_v, deg_s, sem):
    c = lax.axis_index("c")
    s = lax.axis_index("s")
    w = c * NS + s

    def fill(i, _):
        ones_v[pl.ds(i * 16, 16)] = jnp.ones((16,), jnp.float32)
        return _
    lax.fori_loop(0, CHUNK // 16, fill, None)

    def fillz(i, _):
        zer_v[pl.ds(i * 16, 16)] = jnp.zeros((16,), jnp.float32)
        return _
    lax.fori_loop(0, NSL // 16, fillz, None)

    pltpu.sync_copy(zer_v, deg_s.at[pl.ds(s * NSL, NSL)])

    pltpu.sync_copy(ei_ref.at[1, pl.ds(w * NCH, NCH)], idx_v)
    plsc.subcore_barrier()

    def body(j, carry):
        pltpu.async_copy(ones_v, deg_s.at[idx_v.at[j]], sem, add=True)
        return carry
    lax.fori_loop(0, NCH, body, 0)

    def drain(j, carry):
        pltpu.make_async_copy(ones_v, deg_s.at[idx_v.at[j]], sem).wait()
        return carry
    lax.fori_loop(0, NCH, drain, 0)
    plsc.subcore_barrier()

    @pl.when(c == 0)
    def _():
        pltpu.sync_copy(deg_s.at[pl.ds(s * NSL, NSL)],
                        deg0_ref.at[0, pl.ds(s * NSL, NSL)])

    @pl.when(c == 1)
    def _():
        pltpu.sync_copy(deg_s.at[pl.ds(s * NSL, NSL)],
                        deg1_ref.at[0, pl.ds(s * NSL, NSL)])


def _msg_body(ei_ref, aux_ref, acc0_ref, acc1_ref,
              idx_r, idx_c, vals_v, g_v, zer_v, acc_s, sem):
    c = lax.axis_index("c")
    s = lax.axis_index("s")
    w = c * NS + s

    def fillz(i, _):
        zer_v[pl.ds(i * 16, 16)] = jnp.zeros((16,), jnp.float32)
        return _
    lax.fori_loop(0, NSL // 16, fillz, None)
    pltpu.sync_copy(zer_v, acc_s.at[pl.ds(s * NSL, NSL)])

    def stg(k, carry):
        t = lax.rem(s + k, NS) * NSL
        pltpu.async_copy(aux_ref.at[0, pl.ds(t, NSL)], g_v.at[pl.ds(t, NSL)],
                         sem)
        return carry
    lax.fori_loop(0, NS, stg, 0)
    pltpu.async_copy(ei_ref.at[0, pl.ds(w * NCH, NCH)], idx_r, sem)
    pltpu.async_copy(ei_ref.at[1, pl.ds(w * NCH, NCH)], idx_c, sem)

    def stgd(k, carry):
        t = lax.rem(s + k, NS) * NSL
        pltpu.make_async_copy(aux_ref.at[0, pl.ds(t, NSL)],
                              g_v.at[pl.ds(t, NSL)], sem).wait()
        return carry
    lax.fori_loop(0, NS, stgd, 0)
    pltpu.make_async_copy(ei_ref.at[0, pl.ds(w * NCH, NCH)], idx_r, sem).wait()
    pltpu.make_async_copy(ei_ref.at[1, pl.ds(w * NCH, NCH)], idx_c, sem).wait()
    plsc.subcore_barrier()

    def body(j, carry):
        for cc in range(CHUNK // 16):
            i16 = idx_r[j, pl.ds(cc * 16, 16)]
            vals_v[j, pl.ds(cc * 16, 16)] = plsc.load_gather(g_v, [i16])
        pltpu.async_copy(vals_v.at[j], acc_s.at[idx_c.at[j]], sem, add=True)
        return carry
    lax.fori_loop(0, NCH, body, 0)

    def drain(j, carry):
        pltpu.make_async_copy(vals_v.at[j], acc_s.at[idx_c.at[j]], sem).wait()
        return carry
    lax.fori_loop(0, NCH, drain, 0)
    plsc.subcore_barrier()

    @pl.when(c == 0)
    def _():
        pltpu.sync_copy(acc_s.at[pl.ds(s * NSL, NSL)],
                        acc0_ref.at[0, pl.ds(s * NSL, NSL)])

    @pl.when(c == 1)
    def _():
        pltpu.sync_copy(acc_s.at[pl.ds(s * NSL, NSL)],
                        acc1_ref.at[0, pl.ds(s * NSL, NSL)])


def _sc_degree(ei3):
    f = pl.kernel(
        _deg_body,
        out_type=(jax.ShapeDtypeStruct((1, N_PAD), jnp.float32),
                  jax.ShapeDtypeStruct((1, N_PAD), jnp.float32)),
        mesh=plsc.VectorSubcoreMesh(core_axis_name="c", subcore_axis_name="s"),
        scratch_types=[
            pltpu.VMEM((NCH, CHUNK), jnp.int32),
            pltpu.VMEM((CHUNK,), jnp.float32),
            pltpu.VMEM((NSL,), jnp.float32),
            pltpu.VMEM_SHARED((N_PAD,), jnp.float32),
            pltpu.SemaphoreType.DMA,
        ],
    )
    return f(ei3)


def _sc_message(ei3, aux):
    f = pl.kernel(
        _msg_body,
        out_type=(jax.ShapeDtypeStruct((1, N_PAD), jnp.float32),
                  jax.ShapeDtypeStruct((1, N_PAD), jnp.float32)),
        mesh=plsc.VectorSubcoreMesh(core_axis_name="c", subcore_axis_name="s"),
        compiler_params=pltpu.CompilerParams(needs_layout_passes=False),
        scratch_types=[
            pltpu.VMEM((NCH, CHUNK), jnp.int32),
            pltpu.VMEM((NCH, CHUNK), jnp.int32),
            pltpu.VMEM((NCH, CHUNK), jnp.float32),
            pltpu.VMEM((N_PAD,), jnp.float32),
            pltpu.VMEM((NSL,), jnp.float32),
            pltpu.VMEM_SHARED((N_PAD,), jnp.float32),
            pltpu.SemaphoreType.DMA,
        ],
    )
    return f(ei3, aux)



ROWS_BLK = 2048
N_GRID = N_PAD // ROWS_BLK


def _matvec_body(x_ref, w3t_ref, h_ref):
    h_ref[...] = lax.dot_general(w3t_ref[...], x_ref[...],
                                 (((1,), (1,)), ((), ())),
                                 preferred_element_type=jnp.float32)


def _tc_matvec(x, w3t):
    return pl.pallas_call(
        _matvec_body,
        grid=(N_GRID,),
        in_specs=[
            pl.BlockSpec((ROWS_BLK, D), lambda i: (i, 0)),
            pl.BlockSpec((4, D), lambda i: (0, 0)),
        ],
        out_specs=pl.BlockSpec((4, ROWS_BLK), lambda i: (0, i)),
        out_shape=jax.ShapeDtypeStruct((4, N_PAD), jnp.float32),
    )(x, w3t)


def _prep_body(h_ref, deg0_ref, deg1_ref, ab_ref, aux_ref):
    deg = deg0_ref[...] + deg1_ref[...]
    alpha = ab_ref[0, 0]
    beta = ab_ref[0, 1]
    dis = lax.rsqrt(deg + 1.0)
    hm = h_ref[0:1, :]
    hl = h_ref[1:2, :]
    hg = h_ref[2:3, :]
    g = hg * dis
    s1 = jax.nn.sigmoid(alpha * jnp.sqrt(deg) + beta)
    s2 = jax.nn.sigmoid(hm)
    selfterm = hg / (deg + 1.0)
    aux_ref[...] = jnp.concatenate([g, s1, s2, hl, dis, selfterm], axis=0)


def _tc_prep(h, deg0, deg1, ab):
    return pl.pallas_call(
        _prep_body,
        in_specs=[
            pl.BlockSpec((4, N_PAD), lambda: (0, 0)),
            pl.BlockSpec((1, N_PAD), lambda: (0, 0)),
            pl.BlockSpec((1, N_PAD), lambda: (0, 0)),
            pl.BlockSpec(memory_space=pltpu.SMEM),
        ],
        out_specs=pl.BlockSpec((6, N_PAD), lambda: (0, 0)),
        out_shape=jax.ShapeDtypeStruct((6, N_PAD), jnp.float32),
    )(h, deg0, deg1, ab)


def _final_body(aux_ref, acc0_ref, acc1_ref, attn_ref, attnb_ref, fit_ref):
    acc = acc0_ref[...] + acc1_ref[...]
    dis = aux_ref[4:5, :]
    gcn = dis * acc + aux_ref[5:6, :]
    s3 = jax.nn.sigmoid(gcn + aux_ref[3:4, :])
    s1 = aux_ref[1:2, :]
    s2 = aux_ref[2:3, :]

    def logit(j):
        return (attn_ref[j, 0] * s1 + attn_ref[j, 1] * s2
                + attn_ref[j, 2] * s3 + attnb_ref[0, j])
    w0, w1, w2 = logit(0), logit(1), logit(2)
    m = jnp.maximum(jnp.maximum(w0, w1), w2)
    e0 = jnp.exp(w0 - m)
    e1 = jnp.exp(w1 - m)
    e2 = jnp.exp(w2 - m)
    z = e0 + e1 + e2
    fit_ref[...] = (e0 * s1 + e1 * s2 + e2 * s3) / z


def _tc_final(aux, acc0, acc1, attn_w, attn_b2):
    return pl.pallas_call(
        _final_body,
        in_specs=[
            pl.BlockSpec((6, N_PAD), lambda: (0, 0)),
            pl.BlockSpec((1, N_PAD), lambda: (0, 0)),
            pl.BlockSpec((1, N_PAD), lambda: (0, 0)),
            pl.BlockSpec(memory_space=pltpu.SMEM),
            pl.BlockSpec(memory_space=pltpu.SMEM),
        ],
        out_specs=pl.BlockSpec((1, N_PAD), lambda: (0, 0)),
        out_shape=jax.ShapeDtypeStruct((1, N_PAD), jnp.float32),
    )(aux, acc0, acc1, attn_w, attn_b2)



@jax.jit
def kernel(x, edge_index, alpha, beta, mlp_W, linear_W, gcn_W, attn_W, attn_b):
    ei3 = jnp.pad(edge_index, ((0, 0), (0, E_PAD - E)),
                  constant_values=N).reshape(2, E_PAD // CHUNK, CHUNK)

    w3t = jnp.concatenate(
        [mlp_W, linear_W, gcn_W, jnp.zeros((D, 1), jnp.float32)], axis=1).T
    ab = jnp.stack([alpha, beta]).reshape(1, 2)
    attn_b2 = attn_b.reshape(1, 3)

    deg0, deg1 = _sc_degree(ei3)
    h = _tc_matvec(x, w3t)
    aux = _tc_prep(h, deg0, deg1, ab)
    acc0, acc1 = _sc_message(ei3, aux)
    fit = _tc_final(aux, acc0, acc1, attn_W, attn_b2)
    return fit[0, :N]

# --- scband reference (transcript-rebuilt; emitter-appended) ---
"""Pipeline reference for scband-my-score-22754736735003 (READ-ONLY COPY).

The authoritative reference and input builder live on the scoring server;
editing this copy changes nothing except your own understanding.
"""

import jax, jax.numpy as jnp
import numpy as np

N = 10000
E = 320000
D = 128


def setup_inputs(seed: int = 0) -> dict:
    key = jax.random.key(seed)
    ks = jax.random.split(key, 8)
    x = jax.random.normal(ks[0], (N, D), dtype=jnp.float32)
    edge_index = jax.random.randint(ks[1], (2, E), 0, N, dtype=jnp.int32)
    s = 1.0 / np.sqrt(D)
    return {
        "x": x,
        "edge_index": edge_index,
        "alpha": jnp.array(1.0, dtype=jnp.float32),
        "beta": jnp.array(1.0, dtype=jnp.float32),
        "mlp_W": jax.random.normal(ks[2], (D, 1), dtype=jnp.float32) * s,
        "linear_W": jax.random.normal(ks[3], (D, 1), dtype=jnp.float32) * s,
        "gcn_W": jax.random.normal(ks[4], (D, 1), dtype=jnp.float32) * s,
        "attn_W": jax.random.normal(ks[5], (3, 3), dtype=jnp.float32) * (1.0 / np.sqrt(3.0)),
        "attn_b": jax.random.normal(ks[6], (3,), dtype=jnp.float32) * 0.01,
    }


def _gcn_conv(x, W, edge_index, num_nodes):
    # PyG GCNConv with add_self_loops=True, normalize=True, bias=False
    h = x @ W  # [N, 1]
    row = edge_index[0]
    col = edge_index[1]
    sl = jnp.arange(num_nodes, dtype=row.dtype)
    row = jnp.concatenate([row, sl])
    col = jnp.concatenate([col, sl])
    deg = jnp.zeros((num_nodes,), dtype=x.dtype).at[col].add(1.0)
    deg_inv_sqrt = jnp.where(deg > 0, jax.lax.rsqrt(jnp.maximum(deg, 1e-12)), 0.0)
    norm = deg_inv_sqrt[row] * deg_inv_sqrt[col]
    msg = h[row] * norm[:, None]
    out = jnp.zeros((num_nodes, h.shape[1]), dtype=x.dtype).at[col].add(msg)
    return out


def reference(x, edge_index, alpha, beta, mlp_W, linear_W, gcn_W, attn_W, attn_b):
    num_nodes = x.shape[0]
    # degree(edge_index[1], num_nodes): in-degree, no self loops
    deg = jnp.zeros((num_nodes,), dtype=x.dtype).at[edge_index[1]].add(1.0)
    score1 = jax.nn.sigmoid(alpha * jnp.sqrt(deg) + beta)
    score2 = jax.nn.sigmoid(x @ mlp_W)[:, 0]
    gcn_out = _gcn_conv(x, gcn_W, edge_index, num_nodes)
    score3 = jax.nn.sigmoid(gcn_out + x @ linear_W)[:, 0]
    scores = jnp.stack([score1, score2, score3], axis=1)  # [N, 3]
    weight = scores @ attn_W.T + attn_b
    weight = jax.nn.softmax(weight, axis=1)
    fitness = jnp.sum(weight * scores, axis=1)
    return fitness

if __name__ == "__main__":
    import jax
    _d = setup_inputs()
    print(jax.jit(kernel)(*tuple(_d.values())))

</pallas_src>

<mosaic_0001>
#map = affine_map<(d0, d1) -> (0, 0, 0)>
#map1 = affine_map<(d0, d1) -> (0, 0)>
module attributes {stable_mosaic.version = 14 : i64} {
  func.func @_msg_body(%arg0: i32, %arg1: i32, %arg2: memref<2x2560x128xi32, #tpu.memory_space<hbm>>, %arg3: memref<6x10240xf32, #tpu.memory_space<hbm>>, %arg4: memref<1x10240xf32, #tpu.memory_space<hbm>>, %arg5: memref<1x10240xf32, #tpu.memory_space<hbm>>, %arg6: memref<80x128xi32, #tpu.memory_space<vmem>>, %arg7: memref<80x128xi32, #tpu.memory_space<vmem>>, %arg8: memref<80x128xf32, #tpu.memory_space<vmem>>, %arg9: memref<10240xf32, #tpu.memory_space<vmem>>, %arg10: memref<640xf32, #tpu.memory_space<vmem>>, %arg11: memref<10240xf32, #tpu.memory_space<vmem_shared>>, %arg12: memref<!tpu.dma_semaphore, #tpu.memory_space<semaphore_mem>>) attributes {dimension_semantics = [#tpu.dimension_semantics<core_parallel>, #tpu.dimension_semantics<subcore_parallel>], iteration_bounds = array<i64: 2, 16>, scalar_prefetch = 0 : i64, scratch_operands = 7 : i64, tpu.core_type = #tpu.core_type<sc_vector_subcore>, window_params = [{transform_indices = #map}, {transform_indices = #map1}, {transform_indices = #map1}, {transform_indices = #map1}]} {
    %mul3A = arith.constant 16 : i32
    %mul3A_0 = arith.muli %arg0, %mul3A : i32
    %add3A = arith.addi %mul3A_0, %arg1 : i32
    %scan3A = arith.constant 0 : i32
    %scan3A_1 = arith.constant 40 : i32
    %scan3A_2 = arith.addi %scan3A, %scan3A_1 : i32
    %scan3A_3 = arith.constant 1 : i32
    scf.for %scan3A_73 = %scan3A to %scan3A_2 step %scan3A_3  : i32 {
      %broadcast_in_dim3A = arith.constant 0.000000e+00 : f32
      %broadcast_in_dim3A_74 = vector.broadcast %broadcast_in_dim3A : f32 to vector<16xf32>
      %mul3A_75 = arith.constant 16 : i32
      %mul3A_76 = arith.muli %scan3A_73, %mul3A_75 : i32
      %swap3A = arith.index_cast %mul3A_76 : i32 to index
      %swap3A_77 = tpu.vector_load %arg10[%swap3A] {strides = array<i32>} : memref<640xf32, #tpu.memory_space<vmem>>, vector<16xf32>,
      %swap3A_78 = vector.shape_cast %swap3A_77 : vector<16xf32> to vector<16xf32>
      %swap3A_79 = vector.shape_cast %broadcast_in_dim3A_74 : vector<16xf32> to vector<16xf32>
      tpu.vector_store %arg10[%swap3A], %swap3A_79 {strides = array<i32>} : memref<640xf32, #tpu.memory_space<vmem>>, vector<16xf32>,
    }
    %scan3A_4 = arith.constant 40 : i32
    %mul3A_5 = arith.constant 640 : i32
    %mul3A_6 = arith.muli %arg1, %mul3A_5 : i32
    "tpu.region"() ({
      %run_scoped3A = tpu.sem_alloc : memref<!tpu.dma_semaphore, #tpu.memory_space<semaphore_mem>>
      %dma_start3A_73 = tpu.memref_slice %arg11[%mul3A_6] : memref<10240xf32, #tpu.memory_space<vmem_shared>> -> memref<640xf32, #tpu.memory_space<vmem_shared>>
      %dma_start3A_74 = tpu.memref_slice %arg11[%mul3A_6] : memref<10240xf32, #tpu.memory_space<vmem_shared>> -> memref<640xf32, #tpu.memory_space<vmem_shared>>
      tpu.enqueue_dma source(%arg10 : memref<640xf32, #tpu.memory_space<vmem>>) target(%dma_start3A_74 : memref<640xf32, #tpu.memory_space<vmem_shared>>) target_semaphore(%run_scoped3A : memref<!tpu.dma_semaphore, #tpu.memory_space<semaphore_mem>>)
      %dma_wait3A_75 = tpu.memref_slice %arg11[%mul3A_6] : memref<10240xf32, #tpu.memory_space<vmem_shared>> -> memref<640xf32, #tpu.memory_space<vmem_shared>>
      %dma_wait3A_76 = tpu.memref_slice %arg11[%mul3A_6] : memref<10240xf32, #tpu.memory_space<vmem_shared>> -> memref<640xf32, #tpu.memory_space<vmem_shared>>
      tpu.wait_dma2 semaphore(%run_scoped3A : memref<!tpu.dma_semaphore, #tpu.memory_space<semaphore_mem>>) src(%arg10 : memref<640xf32, #tpu.memory_space<vmem>>) dst(%dma_wait3A_76 : memref<640xf32, #tpu.memory_space<vmem_shared>>)
      tpu.yield
    }) : () -> ()
    %scan3A_7 = arith.constant 0 : i32
    %scan3A_8 = arith.constant 0 : i32
    %scan3A_9 = arith.constant 16 : i32
    %scan3A_10 = arith.addi %scan3A_8, %scan3A_9 : i32
    %scan3A_11 = arith.constant 1 : i32
    scf.for %scan3A_73 = %scan3A_8 to %scan3A_10 step %scan3A_11  : i32 {
      %add3A_74 = arith.addi %arg1, %scan3A_73 : i32
      %rem3A = arith.constant 16 : i32
      %rem3A_75 = arith.remsi %add3A_74, %rem3A : i32
      %mul3A_76 = arith.constant 640 : i32
      %mul3A_77 = arith.muli %rem3A_75, %mul3A_76 : i32
      %dma_start3A_78 = arith.constant 0 : i32
      %dma_start3A_79 = tpu.memref_slice %arg9[%mul3A_77] : memref<10240xf32, #tpu.memory_space<vmem>> -> memref<640xf32, #tpu.memory_space<vmem>>
      %dma_start3A_80 = tpu.memref_slice %arg3[%dma_start3A_78, %mul3A_77] : memref<6x10240xf32, #tpu.memory_space<hbm>> -> memref<1x640xf32, #tpu.memory_space<hbm>>
      %dma_start3A_81 = tpu.memref_squeeze %dma_start3A_80 : memref<1x640xf32, #tpu.memory_space<hbm>> -> memref<640xf32, #tpu.memory_space<hbm>>
      %dma_start3A_82 = tpu.memref_slice %arg9[%mul3A_77] : memref<10240xf32, #tpu.memory_space<vmem>> -> memref<640xf32, #tpu.memory_space<vmem>>
      %dma_start3A_83 = tpu.memref_slice %arg3[%dma_start3A_78, %mul3A_77] : memref<6x10240xf32, #tpu.memory_space<hbm>> -> memref<1x640xf32, #tpu.memory_space<hbm>>
      %dma_start3A_84 = tpu.memref_squeeze %dma_start3A_83 : memref<1x640xf32, #tpu.memory_space<hbm>> -> memref<640xf32, #tpu.memory_space<hbm>>
      tpu.enqueue_dma source(%dma_start3A_84 : memref<640xf32, #tpu.memory_space<hbm>>) target(%dma_start3A_82 : memref<640xf32, #tpu.memory_space<vmem>>) target_semaphore(%arg12 : memref<!tpu.dma_semaphore, #tpu.memory_space<semaphore_mem>>)
    }
    %scan3A_12 = arith.constant 16 : i32
    %mul3A_13 = arith.constant 80 : i32
    %mul3A_14 = arith.muli %add3A, %mul3A_13 : i32
    %dma_start3A = arith.constant 0 : i32
    %dma_start3A_15 = arith.constant 0 : i32
    %dma_start3A_16 = tpu.memref_slice %arg2[%dma_start3A, %mul3A_14, %dma_start3A_15] : memref<2x2560x128xi32, #tpu.memory_space<hbm>> -> memref<1x80x128xi32, #tpu.memory_space<hbm>>
    %dma_start3A_17 = tpu.memref_squeeze %dma_start3A_16 : memref<1x80x128xi32, #tpu.memory_space<hbm>> -> memref<80x128xi32, #tpu.memory_space<hbm>>
    %dma_start3A_18 = arith.constant 0 : i32
    %dma_start3A_19 = tpu.memref_slice %arg2[%dma_start3A, %mul3A_14, %dma_start3A_18] : memref<2x2560x128xi32, #tpu.memory_space<hbm>> -> memref<1x80x128xi32, #tpu.memory_space<hbm>>
    %dma_start3A_20 = tpu.memref_squeeze %dma_start3A_19 : memref<1x80x128xi32, #tpu.memory_space<hbm>> -> memref<80x128xi32, #tpu.memory_space<hbm>>
    tpu.enqueue_dma source(%dma_start3A_20 : memref<80x128xi32, #tpu.memory_space<hbm>>) target(%arg6 : memref<80x128xi32, #tpu.memory_space<vmem>>) target_semaphore(%arg12 : memref<!tpu.dma_semaphore, #tpu.memory_space<semaphore_mem>>)
    %mul3A_21 = arith.constant 80 : i32
    %mul3A_22 = arith.muli %add3A, %mul3A_21 : i32
    %dma_start3A_23 = arith.constant 1 : i32
    %dma_start3A_24 = arith.constant 0 : i32
    %dma_start3A_25 = tpu.memref_slice %arg2[%dma_start3A_23, %mul3A_22, %dma_start3A_24] : memref<2x2560x128xi32, #tpu.memory_space<hbm>> -> memref<1x80x128xi32, #tpu.memory_space<hbm>>
    %dma_start3A_26 = tpu.memref_squeeze %dma_start3A_25 : memref<1x80x128xi32, #tpu.memory_space<hbm>> -> memref<80x128xi32, #tpu.memory_space<hbm>>
    %dma_start3A_27 = arith.constant 0 : i32
    %dma_start3A_28 = tpu.memref_slice %arg2[%dma_start3A_23, %mul3A_22, %dma_start3A_27] : memref<2x2560x128xi32, #tpu.memory_space<hbm>> -> memref<1x80x128xi32, #tpu.memory_space<hbm>>
    %dma_start3A_29 = tpu.memref_squeeze %dma_start3A_28 : memref<1x80x128xi32, #tpu.memory_space<hbm>> -> memref<80x128xi32, #tpu.memory_space<hbm>>
    tpu.enqueue_dma source(%dma_start3A_29 : memref<80x128xi32, #tpu.memory_space<hbm>>) target(%arg7 : memref<80x128xi32, #tpu.memory_space<vmem>>) target_semaphore(%arg12 : memref<!tpu.dma_semaphore, #tpu.memory_space<semaphore_mem>>)
    %scan3A_30 = arith.constant 0 : i32
    %scan3A_31 = arith.constant 0 : i32
    %scan3A_32 = arith.constant 16 : i32
    %scan3A_33 = arith.addi %scan3A_31, %scan3A_32 : i32
    %scan3A_34 = arith.constant 1 : i32
    scf.for %scan3A_73 = %scan3A_31 to %scan3A_33 step %scan3A_34  : i32 {
      %add3A_74 = arith.addi %arg1, %scan3A_73 : i32
      %rem3A = arith.constant 16 : i32
      %rem3A_75 = arith.remsi %add3A_74, %rem3A : i32
      %mul3A_76 = arith.constant 640 : i32
      %mul3A_77 = arith.muli %rem3A_75, %mul3A_76 : i32
      %dma_wait3A_78 = arith.constant 0 : i32
      %dma_wait3A_79 = tpu.memref_slice %arg9[%mul3A_77] : memref<10240xf32, #tpu.memory_space<vmem>> -> memref<640xf32, #tpu.memory_space<vmem>>
      %dma_wait3A_80 = tpu.memref_slice %arg3[%dma_wait3A_78, %mul3A_77] : memref<6x10240xf32, #tpu.memory_space<hbm>> -> memref<1x640xf32, #tpu.memory_space<hbm>>
      %dma_wait3A_81 = tpu.memref_squeeze %dma_wait3A_80 : memref<1x640xf32, #tpu.memory_space<hbm>> -> memref<640xf32, #tpu.memory_space<hbm>>
      %dma_wait3A_82 = tpu.memref_slice %arg9[%mul3A_77] : memref<10240xf32, #tpu.memory_space<vmem>> -> memref<640xf32, #tpu.memory_space<vmem>>
      %dma_wait3A_83 = tpu.memref_slice %arg3[%dma_wait3A_78, %mul3A_77] : memref<6x10240xf32, #tpu.memory_space<hbm>> -> memref<1x640xf32, #tpu.memory_space<hbm>>
      %dma_wait3A_84 = tpu.memref_squeeze %dma_wait3A_83 : memref<1x640xf32, #tpu.memory_space<hbm>> -> memref<640xf32, #tpu.memory_space<hbm>>
      tpu.wait_dma2 semaphore(%arg12 : memref<!tpu.dma_semaphore, #tpu.memory_space<semaphore_mem>>) src(%dma_wait3A_84 : memref<640xf32, #tpu.memory_space<hbm>>) dst(%dma_wait3A_82 : memref<640xf32, #tpu.memory_space<vmem>>)
    }
    %scan3A_35 = arith.constant 16 : i32
    %mul3A_36 = arith.constant 80 : i32
    %mul3A_37 = arith.muli %add3A, %mul3A_36 : i32
    %dma_wait3A = arith.constant 0 : i32
    %dma_wait3A_38 = arith.constant 0 : i32
    %dma_wait3A_39 = tpu.memref_slice %arg2[%dma_wait3A, %mul3A_37, %dma_wait3A_38] : memref<2x2560x128xi32, #tpu.memory_space<hbm>> -> memref<1x80x128xi32, #tpu.memory_space<hbm>>
    %dma_wait3A_40 = tpu.memref_squeeze %dma_wait3A_39 : memref<1x80x128xi32, #tpu.memory_space<hbm>> -> memref<80x128xi32, #tpu.memory_space<hbm>>
    %dma_wait3A_41 = arith.constant 0 : i32
    %dma_wait3A_42 = tpu.memref_slice %arg2[%dma_wait3A, %mul3A_37, %dma_wait3A_41] : memref<2x2560x128xi32, #tpu.memory_space<hbm>> -> memref<1x80x128xi32, #tpu.memory_space<hbm>>
    %dma_wait3A_43 = tpu.memref_squeeze %dma_wait3A_42 : memref<1x80x128xi32, #tpu.memory_space<hbm>> -> memref<80x128xi32, #tpu.memory_space<hbm>>
    tpu.wait_dma2 semaphore(%arg12 : memref<!tpu.dma_semaphore, #tpu.memory_space<semaphore_mem>>) src(%dma_wait3A_43 : memref<80x128xi32, #tpu.memory_space<hbm>>) dst(%arg6 : memref<80x128xi32, #tpu.memory_space<vmem>>)
    %mul3A_44 = arith.constant 80 : i32
    %mul3A_45 = arith.muli %add3A, %mul3A_44 : i32
    %dma_wait3A_46 = arith.constant 1 : i32
    %dma_wait3A_47 = arith.constant 0 : i32
    %dma_wait3A_48 = tpu.memref_slice %arg2[%dma_wait3A_46, %mul3A_45, %dma_wait3A_47] : memref<2x2560x128xi32, #tpu.memory_space<hbm>> -> memref<1x80x128xi32, #tpu.memory_space<hbm>>
    %dma_wait3A_49 = tpu.memref_squeeze %dma_wait3A_48 : memref<1x80x128xi32, #tpu.memory_space<hbm>> -> memref<80x128xi32, #tpu.memory_space<hbm>>
    %dma_wait3A_50 = arith.constant 0 : i32
    %dma_wait3A_51 = tpu.memref_slice %arg2[%dma_wait3A_46, %mul3A_45, %dma_wait3A_50] : memref<2x2560x128xi32, #tpu.memory_space<hbm>> -> memref<1x80x128xi32, #tpu.memory_space<hbm>>
    %dma_wait3A_52 = tpu.memref_squeeze %dma_wait3A_51 : memref<1x80x128xi32, #tpu.memory_space<hbm>> -> memref<80x128xi32, #tpu.memory_space<hbm>>
    tpu.wait_dma2 semaphore(%arg12 : memref<!tpu.dma_semaphore, #tpu.memory_space<semaphore_mem>>) src(%dma_wait3A_52 : memref<80x128xi32, #tpu.memory_space<hbm>>) dst(%arg7 : memref<80x128xi32, #tpu.memory_space<vmem>>)
    %barrier3A = arith.constant 0 : index
    tpu.barrier barrier_id(%barrier3A)
    %scan3A_53 = arith.constant 0 : i32
    %scan3A_54 = arith.constant 0 : i32
    %scan3A_55 = arith.constant 80 : i32
    %scan3A_56 = arith.addi %scan3A_54, %scan3A_55 : i32
    %scan3A_57 = arith.constant 1 : i32
    scf.for %scan3A_73 = %scan3A_54 to %scan3A_56 step %scan3A_57  : i32 {
      %get3A = arith.index_cast %scan3A_73 : i32 to index
      %get3A_74 = arith.constant 0 : index
      %get3A_75 = tpu.vector_load %arg6[%get3A, %get3A_74] {strides = array<i32>} : memref<80x128xi32, #tpu.memory_space<vmem>>, vector<16xi32>,
      %gather3A = tpu.vector_load_idx %arg9[%get3A_75] : memref<10240xf32, #tpu.memory_space<vmem>>[vector<16xi32>], vector<16xf32>,
      %swap3A = arith.index_cast %scan3A_73 : i32 to index
      %swap3A_76 = arith.constant 0 : index
      %swap3A_77 = tpu.vector_load %arg8[%swap3A, %swap3A_76] {strides = array<i32>} : memref<80x128xf32, #tpu.memory_space<vmem>>, vector<16xf32>,
      tpu.vector_store %arg8[%swap3A, %swap3A_76], %gather3A {strides = array<i32>} : memref<80x128xf32, #tpu.memory_space<vmem>>, vector<16xf32>,
      %get3A_78 = arith.index_cast %scan3A_73 : i32 to index
      %get3A_79 = arith.constant 16 : index
      %get3A_80 = tpu.vector_load %arg6[%get3A_78, %get3A_79] {strides = array<i32>} : memref<80x128xi32, #tpu.memory_space<vmem>>, vector<16xi32>,
      %gather3A_81 = tpu.vector_load_idx %arg9[%get3A_80] : memref<10240xf32, #tpu.memory_space<vmem>>[vector<16xi32>], vector<16xf32>,
      %swap3A_82 = arith.index_cast %scan3A_73 : i32 to index
      %swap3A_83 = arith.constant 16 : index
      %swap3A_84 = tpu.vector_load %arg8[%swap3A_82, %swap3A_83] {strides = array<i32>} : memref<80x128xf32, #tpu.memory_space<vmem>>, vector<16xf32>,
      tpu.vector_store %arg8[%swap3A_82, %swap3A_83], %gather3A_81 {strides = array<i32>} : memref<80x128xf32, #tpu.memory_space<vmem>>, vector<16xf32>,
      %get3A_85 = arith.index_cast %scan3A_73 : i32 to index
      %get3A_86 = arith.constant 32 : index
      %get3A_87 = tpu.vector_load %arg6[%get3A_85, %get3A_86] {strides = array<i32>} : memref<80x128xi32, #tpu.memory_space<vmem>>, vector<16xi32>,
      %gather3A_88 = tpu.vector_load_idx %arg9[%get3A_87] : memref<10240xf32, #tpu.memory_space<vmem>>[vector<16xi32>], vector<16xf32>,
      %swap3A_89 = arith.index_cast %scan3A_73 : i32 to index
      %swap3A_90 = arith.constant 32 : index
      %swap3A_91 = tpu.vector_load %arg8[%swap3A_89, %swap3A_90] {strides = array<i32>} : memref<80x128xf32, #tpu.memory_space<vmem>>, vector<16xf32>,
      tpu.vector_store %arg8[%swap3A_89, %swap3A_90], %gather3A_88 {strides = array<i32>} : memref<80x128xf32, #tpu.memory_space<vmem>>, vector<16xf32>,
      %get3A_92 = arith.index_cast %scan3A_73 : i32 to index
      %get3A_93 = arith.constant 48 : index
      %get3A_94 = tpu.vector_load %arg6[%get3A_92, %get3A_93] {strides = array<i32>} : memref<80x128xi32, #tpu.memory_space<vmem>>, vector<16xi32>,
      %gather3A_95 = tpu.vector_load_idx %arg9[%get3A_94] : memref<10240xf32, #tpu.memory_space<vmem>>[vector<16xi32>], vector<16xf32>,
      %swap3A_96 = arith.index_cast %scan3A_73 : i32 to index
      %swap3A_97 = arith.constant 48 : index
      %swap3A_98 = tpu.vector_load %arg8[%swap3A_96, %swap3A_97] {strides = array<i32>} : memref<80x128xf32, #tpu.memory_space<vmem>>, vector<16xf32>,
      tpu.vector_store %arg8[%swap3A_96, %swap3A_97], %gather3A_95 {strides = array<i32>} : memref<80x128xf32, #tpu.memory_space<vmem>>, vector<16xf32>,
      %get3A_99 = arith.index_cast %scan3A_73 : i32 to index
      %get3A_100 = arith.constant 64 : index
      %get3A_101 = tpu.vector_load %arg6[%get3A_99, %get3A_100] {strides = array<i32>} : memref<80x128xi32, #tpu.memory_space<vmem>>, vector<16xi32>,
      %gather3A_102 = tpu.vector_load_idx %arg9[%get3A_101] : memref<10240xf32, #tpu.memory_space<vmem>>[vector<16xi32>], vector<16xf32>,
      %swap3A_103 = arith.index_cast %scan3A_73 : i32 to index
      %swap3A_104 = arith.constant 64 : index
      %swap3A_105 = tpu.vector_load %arg8[%swap3A_103, %swap3A_104] {strides = array<i32>} : memref<80x128xf32, #tpu.memory_space<vmem>>, vector<16xf32>,
      tpu.vector_store %arg8[%swap3A_103, %swap3A_104], %gather3A_102 {strides = array<i32>} : memref<80x128xf32, #tpu.memory_space<vmem>>, vector<16xf32>,
      %get3A_106 = arith.index_cast %scan3A_73 : i32 to index
      %get3A_107 = arith.constant 80 : index
      %get3A_108 = tpu.vector_load %arg6[%get3A_106, %get3A_107] {strides = array<i32>} : memref<80x128xi32, #tpu.memory_space<vmem>>, vector<16xi32>,
      %gather3A_109 = tpu.vector_load_idx %arg9[%get3A_108] : memref<10240xf32, #tpu.memory_space<vmem>>[vector<16xi32>], vector<16xf32>,
      %swap3A_110 = arith.index_cast %scan3A_73 : i32 to index
      %swap3A_111 = arith.constant 80 : index
      %swap3A_112 = tpu.vector_load %arg8[%swap3A_110, %swap3A_111] {strides = array<i32>} : memref<80x128xf32, #tpu.memory_space<vmem>>, vector<16xf32>,
      tpu.vector_store %arg8[%swap3A_110, %swap3A_111], %gather3A_109 {strides = array<i32>} : memref<80x128xf32, #tpu.memory_space<vmem>>, vector<16xf32>,
      %get3A_113 = arith.index_cast %scan3A_73 : i32 to index
      %get3A_114 = arith.constant 96 : index
      %get3A_115 = tpu.vector_load %arg6[%get3A_113, %get3A_114] {strides = array<i32>} : memref<80x128xi32, #tpu.memory_space<vmem>>, vector<16xi32>,
      %gather3A_116 = tpu.vector_load_idx %arg9[%get3A_115] : memref<10240xf32, #tpu.memory_space<vmem>>[vector<16xi32>], vector<16xf32>,
      %swap3A_117 = arith.index_cast %scan3A_73 : i32 to index
      %swap3A_118 = arith.constant 96 : index
      %swap3A_119 = tpu.vector_load %arg8[%swap3A_117, %swap3A_118] {strides = array<i32>} : memref<80x128xf32, #tpu.memory_space<vmem>>, vector<16xf32>,
      tpu.vector_store %arg8[%swap3A_117, %swap3A_118], %gather3A_116 {strides = array<i32>} : memref<80x128xf32, #tpu.memory_space<vmem>>, vector<16xf32>,
      %get3A_120 = arith.index_cast %scan3A_73 : i32 to index
      %get3A_121 = arith.constant 112 : index
      %get3A_122 = tpu.vector_load %arg6[%get3A_120, %get3A_121] {strides = array<i32>} : memref<80x128xi32, #tpu.memory_space<vmem>>, vector<16xi32>,
      %gather3A_123 = tpu.vector_load_idx %arg9[%get3A_122] : memref<10240xf32, #tpu.memory_space<vmem>>[vector<16xi32>], vector<16xf32>,
      %swap3A_124 = arith.index_cast %scan3A_73 : i32 to index
      %swap3A_125 = arith.constant 112 : index
      %swap3A_126 = tpu.vector_load %arg8[%swap3A_124, %swap3A_125] {strides = array<i32>} : memref<80x128xf32, #tpu.memory_space<vmem>>, vector<16xf32>,
      tpu.vector_store %arg8[%swap3A_124, %swap3A_125], %gather3A_123 {strides = array<i32>} : memref<80x128xf32, #tpu.memory_space<vmem>>, vector<16xf32>,
      %dma_start3A_127 = arith.constant 0 : i32
      %dma_start3A_128 = tpu.memref_slice %arg8[%scan3A_73, %dma_start3A_127] : memref<80x128xf32, #tpu.memory_space<vmem>> -> memref<1x128xf32, #tpu.memory_space<vmem>>
      %dma_start3A_129 = tpu.memref_squeeze %dma_start3A_128 : memref<1x128xf32, #tpu.memory_space<vmem>> -> memref<128xf32, #tpu.memory_space<vmem>>
      %dma_start3A_130 = arith.constant 0 : i32
      %dma_start3A_131 = tpu.memref_slice %arg7[%scan3A_73, %dma_start3A_130] : memref<80x128xi32, #tpu.memory_space<vmem>> -> memref<1x128xi32, #tpu.memory_space<vmem>>
      %dma_start3A_132 = tpu.memref_squeeze %dma_start3A_131 : memref<1x128xi32, #tpu.memory_space<vmem>> -> memref<128xi32, #tpu.memory_space<vmem>>
      %dma_start3A_133 = arith.constant 0 : i32
      %dma_start3A_134 = tpu.memref_slice %arg11[%dma_start3A_133] : memref<10240xf32, #tpu.memory_space<vmem_shared>> -> memref<10240xf32, #tpu.memory_space<vmem_shared>>
      tpu.enqueue_indirect_dma source(%dma_start3A_129 : memref<128xf32, #tpu.memory_space<vmem>>) target(%dma_start3A_134 : memref<10240xf32, #tpu.memory_space<vmem_shared>>) offsets(%dma_start3A_132 : memref<128xi32, #tpu.memory_space<vmem>>) semaphore(%arg12 : memref<!tpu.dma_semaphore, #tpu.memory_space<semaphore_mem>>) {add = true}
    }
    %scan3A_58 = arith.constant 80 : i32
    %scan3A_59 = arith.constant 0 : i32
    %scan3A_60 = arith.constant 0 : i32
    %scan3A_61 = arith.constant 80 : i32
    %scan3A_62 = arith.addi %scan3A_60, %scan3A_61 : i32
    %scan3A_63 = arith.constant 1 : i32
    scf.for %scan3A_73 = %scan3A_60 to %scan3A_62 step %scan3A_63  : i32 {
      %dma_wait3A_74 = arith.constant 0 : i32
      %dma_wait3A_75 = tpu.memref_slice %arg8[%scan3A_73, %dma_wait3A_74] : memref<80x128xf32, #tpu.memory_space<vmem>> -> memref<1x128xf32, #tpu.memory_space<vmem>>
      %dma_wait3A_76 = tpu.memref_squeeze %dma_wait3A_75 : memref<1x128xf32, #tpu.memory_space<vmem>> -> memref<128xf32, #tpu.memory_space<vmem>>
      %dma_wait3A_77 = arith.constant 0 : i32
      %dma_wait3A_78 = tpu.memref_slice %arg7[%scan3A_73, %dma_wait3A_77] : memref<80x128xi32, #tpu.memory_space<vmem>> -> memref<1x128xi32, #tpu.memory_space<vmem>>
      %dma_wait3A_79 = tpu.memref_squeeze %dma_wait3A_78 : memref<1x128xi32, #tpu.memory_space<vmem>> -> memref<128xi32, #tpu.memory_space<vmem>>
      %dma_wait3A_80 = arith.constant 0 : i32
      %dma_wait3A_81 = tpu.memref_slice %arg11[%dma_wait3A_80] : memref<10240xf32, #tpu.memory_space<vmem_shared>> -> memref<10240xf32, #tpu.memory_space<vmem_shared>>
      tpu.wait_indirect_dma semaphore(%arg12 : memref<!tpu.dma_semaphore, #tpu.memory_space<semaphore_mem>>) src(%dma_wait3A_76 : memref<128xf32, #tpu.memory_space<vmem>>) dst(%dma_wait3A_81 : memref<10240xf32, #tpu.memory_space<vmem_shared>>)
    }
    %scan3A_64 = arith.constant 80 : i32
    %barrier3A_65 = arith.constant 0 : index
    tpu.barrier barrier_id(%barrier3A_65)
    %eq3A = arith.constant 0 : i32
    %eq3A_66 = arith.cmpi eq, %arg0, %eq3A : i32
    %convert_element_type3A = arith.extui %eq3A_66 : i1 to i32
    %cond3A = arith.constant 0 : i32
    %cond3A_67 = arith.cmpi ne, %convert_element_type3A, %cond3A : i32
    scf.if %cond3A_67 {
      %mul3A_73 = arith.constant 640 : i32
      %mul3A_74 = arith.muli %arg1, %mul3A_73 : i32
      %mul3A_75 = arith.constant 640 : i32
      %mul3A_76 = arith.muli %arg1, %mul3A_75 : i32
      %run_scoped3A = arith.constant 0 : i32
      "tpu.region"() ({
        %run_scoped3A_77 = tpu.sem_alloc : memref<!tpu.dma_semaphore, #tpu.memory_space<semaphore_mem>>
        %dma_start3A_78 = tpu.memref_slice %arg4[%run_scoped3A, %mul3A_76] : memref<1x10240xf32, #tpu.memory_space<hbm>> -> memref<1x640xf32, #tpu.memory_space<hbm>>
        %dma_start3A_79 = tpu.memref_squeeze %dma_start3A_78 : memref<1x640xf32, #tpu.memory_space<hbm>> -> memref<640xf32, #tpu.memory_space<hbm>>
        %dma_start3A_80 = tpu.memref_slice %arg11[%mul3A_74] : memref<10240xf32, #tpu.memory_space<vmem_shared>> -> memref<640xf32, #tpu.memory_space<vmem_shared>>
        tpu.enqueue_dma source(%dma_start3A_80 : memref<640xf32, #tpu.memory_space<vmem_shared>>) target(%dma_start3A_79 : memref<640xf32, #tpu.memory_space<hbm>>) target_semaphore(%run_scoped3A_77 : memref<!tpu.dma_semaphore, #tpu.memory_space<semaphore_mem>>)
        %dma_wait3A_81 = tpu.memref_slice %arg4[%run_scoped3A, %mul3A_76] : memref<1x10240xf32, #tpu.memory_space<hbm>> -> memref<1x640xf32, #tpu.memory_space<hbm>>
        %dma_wait3A_82 = tpu.memref_squeeze %dma_wait3A_81 : memref<1x640xf32, #tpu.memory_space<hbm>> -> memref<640xf32, #tpu.memory_space<hbm>>
        %dma_wait3A_83 = tpu.memref_slice %arg11[%mul3A_74] : memref<10240xf32, #tpu.memory_space<vmem_shared>> -> memref<640xf32, #tpu.memory_space<vmem_shared>>
        tpu.wait_dma2 semaphore(%run_scoped3A_77 : memref<!tpu.dma_semaphore, #tpu.memory_space<semaphore_mem>>) src(%dma_wait3A_83 : memref<640xf32, #tpu.memory_space<vmem_shared>>) dst(%dma_wait3A_82 : memref<640xf32, #tpu.memory_space<hbm>>)
        tpu.yield
      }) : () -> ()
    } else {
    }
    %eq3A_68 = arith.constant 1 : i32
    %eq3A_69 = arith.cmpi eq, %arg0, %eq3A_68 : i32
    %convert_element_type3A_70 = arith.extui %eq3A_69 : i1 to i32
    %cond3A_71 = arith.constant 0 : i32
    %cond3A_72 = arith.cmpi ne, %convert_element_type3A_70, %cond3A_71 : i32
    scf.if %cond3A_72 {
      %mul3A_73 = arith.constant 640 : i32
      %mul3A_74 = arith.muli %arg1, %mul3A_73 : i32
      %mul3A_75 = arith.constant 640 : i32
      %mul3A_76 = arith.muli %arg1, %mul3A_75 : i32
      %run_scoped3A = arith.constant 0 : i32
      "tpu.region"() ({
        %run_scoped3A_77 = tpu.sem_alloc : memref<!tpu.dma_semaphore, #tpu.memory_space<semaphore_mem>>
        %dma_start3A_78 = tpu.memref_slice %arg5[%run_scoped3A, %mul3A_76] : memref<1x10240xf32, #tpu.memory_space<hbm>> -> memref<1x640xf32, #tpu.memory_space<hbm>>
        %dma_start3A_79 = tpu.memref_squeeze %dma_start3A_78 : memref<1x640xf32, #tpu.memory_space<hbm>> -> memref<640xf32, #tpu.memory_space<hbm>>
        %dma_start3A_80 = tpu.memref_slice %arg11[%mul3A_74] : memref<10240xf32, #tpu.memory_space<vmem_shared>> -> memref<640xf32, #tpu.memory_space<vmem_shared>>
        tpu.enqueue_dma source(%dma_start3A_80 : memref<640xf32, #tpu.memory_space<vmem_shared>>) target(%dma_start3A_79 : memref<640xf32, #tpu.memory_space<hbm>>) target_semaphore(%run_scoped3A_77 : memref<!tpu.dma_semaphore, #tpu.memory_space<semaphore_mem>>)
        %dma_wait3A_81 = tpu.memref_slice %arg5[%run_scoped3A, %mul3A_76] : memref<1x10240xf32, #tpu.memory_space<hbm>> -> memref<1x640xf32, #tpu.memory_space<hbm>>
        %dma_wait3A_82 = tpu.memref_squeeze %dma_wait3A_81 : memref<1x640xf32, #tpu.memory_space<hbm>> -> memref<640xf32, #tpu.memory_space<hbm>>
        %dma_wait3A_83 = tpu.memref_slice %arg11[%mul3A_74] : memref<10240xf32, #tpu.memory_space<vmem_shared>> -> memref<640xf32, #tpu.memory_space<vmem_shared>>
        tpu.wait_dma2 semaphore(%run_scoped3A_77 : memref<!tpu.dma_semaphore, #tpu.memory_space<semaphore_mem>>) src(%dma_wait3A_83 : memref<640xf32, #tpu.memory_space<vmem_shared>>) dst(%dma_wait3A_82 : memref<640xf32, #tpu.memory_space<hbm>>)
        tpu.yield
      }) : () -> ()
    } else {
    }
    return
  }
}

#map = affine_map<(d0, d1) -> (0, 0, 0)>
#map1 = affine_map<(d0, d1) -> (0, 0)>
module attributes {stable_mosaic.version = 14 : i64} {
  func.func @_deg_body(%arg0: i32, %arg1: i32, %arg2: memref<2x2560x128xi32, #tpu.memory_space<hbm>>, %arg3: memref<1x10240xf32, #tpu.memory_space<hbm>>, %arg4: memref<1x10240xf32, #tpu.memory_space<hbm>>, %arg5: memref<80x128xi32, #tpu.memory_space<vmem>>, %arg6: memref<128xf32, #tpu.memory_space<vmem>>, %arg7: memref<640xf32, #tpu.memory_space<vmem>>, %arg8: memref<10240xf32, #tpu.memory_space<vmem_shared>>, %arg9: memref<!tpu.dma_semaphore, #tpu.memory_space<semaphore_mem>>) attributes {dimension_semantics = [#tpu.dimension_semantics<core_parallel>, #tpu.dimension_semantics<subcore_parallel>], iteration_bounds = array<i64: 2, 16>, scalar_prefetch = 0 : i64, scratch_operands = 5 : i64, tpu.core_type = #tpu.core_type<sc_vector_subcore>, window_params = [{transform_indices = #map}, {transform_indices = #map1}, {transform_indices = #map1}]} {
    %mul3A = arith.constant 16 : i32
    %mul3A_0 = arith.muli %arg0, %mul3A : i32
    %add3A = arith.addi %mul3A_0, %arg1 : i32
    %scan3A = arith.constant 0 : i32
    %scan3A_1 = arith.constant 8 : i32
    %scan3A_2 = arith.addi %scan3A, %scan3A_1 : i32
    %scan3A_3 = arith.constant 1 : i32
    scf.for %scan3A_34 = %scan3A to %scan3A_2 step %scan3A_3  : i32 {
      %broadcast_in_dim3A = arith.constant 1.000000e+00 : f32
      %broadcast_in_dim3A_35 = vector.broadcast %broadcast_in_dim3A : f32 to vector<16xf32>
      %mul3A_36 = arith.constant 16 : i32
      %mul3A_37 = arith.muli %scan3A_34, %mul3A_36 : i32
      %swap3A = arith.index_cast %mul3A_37 : i32 to index
      %swap3A_38 = tpu.vector_load %arg6[%swap3A] {strides = array<i32>} : memref<128xf32, #tpu.memory_space<vmem>>, vector<16xf32>,
      %swap3A_39 = vector.shape_cast %swap3A_38 : vector<16xf32> to vector<16xf32>
      %swap3A_40 = vector.shape_cast %broadcast_in_dim3A_35 : vector<16xf32> to vector<16xf32>
      tpu.vector_store %arg6[%swap3A], %swap3A_40 {strides = array<i32>} : memref<128xf32, #tpu.memory_space<vmem>>, vector<16xf32>,
    }
    %scan3A_4 = arith.constant 8 : i32
    %scan3A_5 = arith.constant 0 : i32
    %scan3A_6 = arith.constant 40 : i32
    %scan3A_7 = arith.addi %scan3A_5, %scan3A_6 : i32
    %scan3A_8 = arith.constant 1 : i32
    scf.for %scan3A_34 = %scan3A_5 to %scan3A_7 step %scan3A_8  : i32 {
      %broadcast_in_dim3A = arith.constant 0.000000e+00 : f32
      %broadcast_in_dim3A_35 = vector.broadcast %broadcast_in_dim3A : f32 to vector<16xf32>
      %mul3A_36 = arith.constant 16 : i32
      %mul3A_37 = arith.muli %scan3A_34, %mul3A_36 : i32
      %swap3A = arith.index_cast %mul3A_37 : i32 to index
      %swap3A_38 = tpu.vector_load %arg7[%swap3A] {strides = array<i32>} : memref<640xf32, #tpu.memory_space<vmem>>, vector<16xf32>,
      %swap3A_39 = vector.shape_cast %swap3A_38 : vector<16xf32> to vector<16xf32>
      %swap3A_40 = vector.shape_cast %broadcast_in_dim3A_35 : vector<16xf32> to vector<16xf32>
      tpu.vector_store %arg7[%swap3A], %swap3A_40 {strides = array<i32>} : memref<640xf32, #tpu.memory_space<vmem>>, vector<16xf32>,
    }
    %scan3A_9 = arith.constant 40 : i32
    %mul3A_10 = arith.constant 640 : i32
    %mul3A_11 = arith.muli %arg1, %mul3A_10 : i32
    "tpu.region"() ({
      %run_scoped3A_34 = tpu.sem_alloc : memref<!tpu.dma_semaphore, #tpu.memory_space<semaphore_mem>>
      %dma_start3A = tpu.memref_slice %arg8[%mul3A_11] : memref<10240xf32, #tpu.memory_space<vmem_shared>> -> memref<640xf32, #tpu.memory_space<vmem_shared>>
      %dma_start3A_35 = tpu.memref_slice %arg8[%mul3A_11] : memref<10240xf32, #tpu.memory_space<vmem_shared>> -> memref<640xf32, #tpu.memory_space<vmem_shared>>
      tpu.enqueue_dma source(%arg7 : memref<640xf32, #tpu.memory_space<vmem>>) target(%dma_start3A_35 : memref<640xf32, #tpu.memory_space<vmem_shared>>) target_semaphore(%run_scoped3A_34 : memref<!tpu.dma_semaphore, #tpu.memory_space<semaphore_mem>>)
      %dma_wait3A = tpu.memref_slice %arg8[%mul3A_11] : memref<10240xf32, #tpu.memory_space<vmem_shared>> -> memref<640xf32, #tpu.memory_space<vmem_shared>>
      %dma_wait3A_36 = tpu.memref_slice %arg8[%mul3A_11] : memref<10240xf32, #tpu.memory_space<vmem_shared>> -> memref<640xf32, #tpu.memory_space<vmem_shared>>
      tpu.wait_dma2 semaphore(%run_scoped3A_34 : memref<!tpu.dma_semaphore, #tpu.memory_space<semaphore_mem>>) src(%arg7 : memref<640xf32, #tpu.memory_space<vmem>>) dst(%dma_wait3A_36 : memref<640xf32, #tpu.memory_space<vmem_shared>>)
      tpu.yield
    }) : () -> ()
    %mul3A_12 = arith.constant 80 : i32
    %mul3A_13 = arith.muli %add3A, %mul3A_12 : i32
    %run_scoped3A = arith.constant 1 : i32
    "tpu.region"() ({
      %run_scoped3A_34 = tpu.sem_alloc : memref<!tpu.dma_semaphore, #tpu.memory_space<semaphore_mem>>
      %dma_start3A = arith.constant 0 : i32
      %dma_start3A_35 = tpu.memref_slice %arg2[%run_scoped3A, %mul3A_13, %dma_start3A] : memref<2x2560x128xi32, #tpu.memory_space<hbm>> -> memref<1x80x128xi32, #tpu.memory_space<hbm>>
      %dma_start3A_36 = tpu.memref_squeeze %dma_start3A_35 : memref<1x80x128xi32, #tpu.memory_space<hbm>> -> memref<80x128xi32, #tpu.memory_space<hbm>>
      %dma_start3A_37 = arith.constant 0 : i32
      %dma_start3A_38 = tpu.memref_slice %arg2[%run_scoped3A, %mul3A_13, %dma_start3A_37] : memref<2x2560x128xi32, #tpu.memory_space<hbm>> -> memref<1x80x128xi32, #tpu.memory_space<hbm>>
      %dma_start3A_39 = tpu.memref_squeeze %dma_start3A_38 : memref<1x80x128xi32, #tpu.memory_space<hbm>> -> memref<80x128xi32, #tpu.memory_space<hbm>>
      tpu.enqueue_dma source(%dma_start3A_39 : memref<80x128xi32, #tpu.memory_space<hbm>>) target(%arg5 : memref<80x128xi32, #tpu.memory_space<vmem>>) target_semaphore(%run_scoped3A_34 : memref<!tpu.dma_semaphore, #tpu.memory_space<semaphore_mem>>)
      %dma_wait3A = arith.constant 0 : i32
      %dma_wait3A_40 = tpu.memref_slice %arg2[%run_scoped3A, %mul3A_13, %dma_wait3A] : memref<2x2560x128xi32, #tpu.memory_space<hbm>> -> memref<1x80x128xi32, #tpu.memory_space<hbm>>
      %dma_wait3A_41 = tpu.memref_squeeze %dma_wait3A_40 : memref<1x80x128xi32, #tpu.memory_space<hbm>> -> memref<80x128xi32, #tpu.memory_space<hbm>>
      %dma_wait3A_42 = arith.constant 0 : i32
      %dma_wait3A_43 = tpu.memref_slice %arg2[%run_scoped3A, %mul3A_13, %dma_wait3A_42] : memref<2x2560x128xi32, #tpu.memory_space<hbm>> -> memref<1x80x128xi32, #tpu.memory_space<hbm>>
      %dma_wait3A_44 = tpu.memref_squeeze %dma_wait3A_43 : memref<1x80x128xi32, #tpu.memory_space<hbm>> -> memref<80x128xi32, #tpu.memory_space<hbm>>
      tpu.wait_dma2 semaphore(%run_scoped3A_34 : memref<!tpu.dma_semaphore, #tpu.memory_space<semaphore_mem>>) src(%dma_wait3A_44 : memref<80x128xi32, #tpu.memory_space<hbm>>) dst(%arg5 : memref<80x128xi32, #tpu.memory_space<vmem>>)
      tpu.yield
    }) : () -> ()
    %barrier3A = arith.constant 0 : index
    tpu.barrier barrier_id(%barrier3A)
    %scan3A_14 = arith.constant 0 : i32
    %scan3A_15 = arith.constant 0 : i32
    %scan3A_16 = arith.constant 80 : i32
    %scan3A_17 = arith.addi %scan3A_15, %scan3A_16 : i32
    %scan3A_18 = arith.constant 1 : i32
    scf.for %scan3A_34 = %scan3A_15 to %scan3A_17 step %scan3A_18  : i32 {
      %dma_start3A = arith.constant 0 : i32
      %dma_start3A_35 = tpu.memref_slice %arg5[%scan3A_34, %dma_start3A] : memref<80x128xi32, #tpu.memory_space<vmem>> -> memref<1x128xi32, #tpu.memory_space<vmem>>
      %dma_start3A_36 = tpu.memref_squeeze %dma_start3A_35 : memref<1x128xi32, #tpu.memory_space<vmem>> -> memref<128xi32, #tpu.memory_space<vmem>>
      %dma_start3A_37 = arith.constant 0 : i32
      %dma_start3A_38 = tpu.memref_slice %arg8[%dma_start3A_37] : memref<10240xf32, #tpu.memory_space<vmem_shared>> -> memref<10240xf32, #tpu.memory_space<vmem_shared>>
      tpu.enqueue_indirect_dma source(%arg6 : memref<128xf32, #tpu.memory_space<vmem>>) target(%dma_start3A_38 : memref<10240xf32, #tpu.memory_space<vmem_shared>>) offsets(%dma_start3A_36 : memref<128xi32, #tpu.memory_space<vmem>>) semaphore(%arg9 : memref<!tpu.dma_semaphore, #tpu.memory_space<semaphore_mem>>) {add = true}
    }
    %scan3A_19 = arith.constant 80 : i32
    %scan3A_20 = arith.constant 0 : i32
    %scan3A_21 = arith.constant 0 : i32
    %scan3A_22 = arith.constant 80 : i32
    %scan3A_23 = arith.addi %scan3A_21, %scan3A_22 : i32
    %scan3A_24 = arith.constant 1 : i32
    scf.for %scan3A_34 = %scan3A_21 to %scan3A_23 step %scan3A_24  : i32 {
      %dma_wait3A = arith.constant 0 : i32
      %dma_wait3A_35 = tpu.memref_slice %arg5[%scan3A_34, %dma_wait3A] : memref<80x128xi32, #tpu.memory_space<vmem>> -> memref<1x128xi32, #tpu.memory_space<vmem>>
      %dma_wait3A_36 = tpu.memref_squeeze %dma_wait3A_35 : memref<1x128xi32, #tpu.memory_space<vmem>> -> memref<128xi32, #tpu.memory_space<vmem>>
      %dma_wait3A_37 = arith.constant 0 : i32
      %dma_wait3A_38 = tpu.memref_slice %arg8[%dma_wait3A_37] : memref<10240xf32, #tpu.memory_space<vmem_shared>> -> memref<10240xf32, #tpu.memory_space<vmem_shared>>
      tpu.wait_indirect_dma semaphore(%arg9 : memref<!tpu.dma_semaphore, #tpu.memory_space<semaphore_mem>>) src(%arg6 : memref<128xf32, #tpu.memory_space<vmem>>) dst(%dma_wait3A_38 : memref<10240xf32, #tpu.memory_space<vmem_shared>>)
    }
    %scan3A_25 = arith.constant 80 : i32
    %barrier3A_26 = arith.constant 0 : index
    tpu.barrier barrier_id(%barrier3A_26)
    %eq3A = arith.constant 0 : i32
    %eq3A_27 = arith.cmpi eq, %arg0, %eq3A : i32
    %convert_element_type3A = arith.extui %eq3A_27 : i1 to i32
    %cond3A = arith.constant 0 : i32
    %cond3A_28 = arith.cmpi ne, %convert_element_type3A, %cond3A : i32
    scf.if %cond3A_28 {
      %mul3A_34 = arith.constant 640 : i32
      %mul3A_35 = arith.muli %arg1, %mul3A_34 : i32
      %mul3A_36 = arith.constant 640 : i32
      %mul3A_37 = arith.muli %arg1, %mul3A_36 : i32
      %run_scoped3A_38 = arith.constant 0 : i32
      "tpu.region"() ({
        %run_scoped3A_39 = tpu.sem_alloc : memref<!tpu.dma_semaphore, #tpu.memory_space<semaphore_mem>>
        %dma_start3A = tpu.memref_slice %arg3[%run_scoped3A_38, %mul3A_37] : memref<1x10240xf32, #tpu.memory_space<hbm>> -> memref<1x640xf32, #tpu.memory_space<hbm>>
        %dma_start3A_40 = tpu.memref_squeeze %dma_start3A : memref<1x640xf32, #tpu.memory_space<hbm>> -> memref<640xf32, #tpu.memory_space<hbm>>
        %dma_start3A_41 = tpu.memref_slice %arg8[%mul3A_35] : memref<10240xf32, #tpu.memory_space<vmem_shared>> -> memref<640xf32, #tpu.memory_space<vmem_shared>>
        tpu.enqueue_dma source(%dma_start3A_41 : memref<640xf32, #tpu.memory_space<vmem_shared>>) target(%dma_start3A_40 : memref<640xf32, #tpu.memory_space<hbm>>) target_semaphore(%run_scoped3A_39 : memref<!tpu.dma_semaphore, #tpu.memory_space<semaphore_mem>>)
        %dma_wait3A = tpu.memref_slice %arg3[%run_scoped3A_38, %mul3A_37] : memref<1x10240xf32, #tpu.memory_space<hbm>> -> memref<1x640xf32, #tpu.memory_space<hbm>>
        %dma_wait3A_42 = tpu.memref_squeeze %dma_wait3A : memref<1x640xf32, #tpu.memory_space<hbm>> -> memref<640xf32, #tpu.memory_space<hbm>>
        %dma_wait3A_43 = tpu.memref_slice %arg8[%mul3A_35] : memref<10240xf32, #tpu.memory_space<vmem_shared>> -> memref<640xf32, #tpu.memory_space<vmem_shared>>
        tpu.wait_dma2 semaphore(%run_scoped3A_39 : memref<!tpu.dma_semaphore, #tpu.memory_space<semaphore_mem>>) src(%dma_wait3A_43 : memref<640xf32, #tpu.memory_space<vmem_shared>>) dst(%dma_wait3A_42 : memref<640xf32, #tpu.memory_space<hbm>>)
        tpu.yield
      }) : () -> ()
    } else {
    }
    %eq3A_29 = arith.constant 1 : i32
    %eq3A_30 = arith.cmpi eq, %arg0, %eq3A_29 : i32
    %convert_element_type3A_31 = arith.extui %eq3A_30 : i1 to i32
    %cond3A_32 = arith.constant 0 : i32
    %cond3A_33 = arith.cmpi ne, %convert_element_type3A_31, %cond3A_32 : i32
    scf.if %cond3A_33 {
      %mul3A_34 = arith.constant 640 : i32
      %mul3A_35 = arith.muli %arg1, %mul3A_34 : i32
      %mul3A_36 = arith.constant 640 : i32
      %mul3A_37 = arith.muli %arg1, %mul3A_36 : i32
      %run_scoped3A_38 = arith.constant 0 : i32
      "tpu.region"() ({
        %run_scoped3A_39 = tpu.sem_alloc : memref<!tpu.dma_semaphore, #tpu.memory_space<semaphore_mem>>
        %dma_start3A = tpu.memref_slice %arg4[%run_scoped3A_38, %mul3A_37] : memref<1x10240xf32, #tpu.memory_space<hbm>> -> memref<1x640xf32, #tpu.memory_space<hbm>>
        %dma_start3A_40 = tpu.memref_squeeze %dma_start3A : memref<1x640xf32, #tpu.memory_space<hbm>> -> memref<640xf32, #tpu.memory_space<hbm>>
        %dma_start3A_41 = tpu.memref_slice %arg8[%mul3A_35] : memref<10240xf32, #tpu.memory_space<vmem_shared>> -> memref<640xf32, #tpu.memory_space<vmem_shared>>
        tpu.enqueue_dma source(%dma_start3A_41 : memref<640xf32, #tpu.memory_space<vmem_shared>>) target(%dma_start3A_40 : memref<640xf32, #tpu.memory_space<hbm>>) target_semaphore(%run_scoped3A_39 : memref<!tpu.dma_semaphore, #tpu.memory_space<semaphore_mem>>)
        %dma_wait3A = tpu.memref_slice %arg4[%run_scoped3A_38, %mul3A_37] : memref<1x10240xf32, #tpu.memory_space<hbm>> -> memref<1x640xf32, #tpu.memory_space<hbm>>
        %dma_wait3A_42 = tpu.memref_squeeze %dma_wait3A : memref<1x640xf32, #tpu.memory_space<hbm>> -> memref<640xf32, #tpu.memory_space<hbm>>
        %dma_wait3A_43 = tpu.memref_slice %arg8[%mul3A_35] : memref<10240xf32, #tpu.memory_space<vmem_shared>> -> memref<640xf32, #tpu.memory_space<vmem_shared>>
        tpu.wait_dma2 semaphore(%run_scoped3A_39 : memref<!tpu.dma_semaphore, #tpu.memory_space<semaphore_mem>>) src(%dma_wait3A_43 : memref<640xf32, #tpu.memory_space<vmem_shared>>) dst(%dma_wait3A_42 : memref<640xf32, #tpu.memory_space<hbm>>)
        tpu.yield
      }) : () -> ()
    } else {
    }
    return
  }
}

module attributes {stable_mosaic.version = 14 : i64} {
  func.func @_matvec_body(%arg0: i32, %arg1: memref<2048x128xf32, #tpu.memory_space<vmem>>, %arg2: memref<4x128xf32, #tpu.memory_space<vmem>>, %arg3: memref<4x2048xf32, #tpu.memory_space<vmem>>) attributes {dimension_semantics = [#tpu.dimension_semantics<arbitrary>], iteration_bounds = array<i64: 5>, scalar_prefetch = 0 : i64, scratch_operands = 0 : i64, tpu.core_type = #tpu.core_type<tc>, window_params = [{transform_indices = @transform_0, window_bounds = array<i64: 2048, 128>}, {pipeline_mode = #tpu.pipeline_mode<synchronous>, transform_indices = @transform_1, window_bounds = array<i64: 4, 128>}, {transform_indices = @transform_2, window_bounds = array<i64: 4, 2048>}]} {
    %get3A = arith.constant 0 : index
    %get3A_0 = arith.constant 0 : index
    %get3A_1 = vector.load %arg2[%get3A, %get3A_0] : memref<4x128xf32, #tpu.memory_space<vmem>>, vector<4x128xf32>
    %get3A_2 = arith.constant 0 : index
    %get3A_3 = arith.constant 0 : index
    %get3A_4 = vector.load %arg1[%get3A_2, %get3A_3] : memref<2048x128xf32, #tpu.memory_space<vmem>>, vector<2048x128xf32>
    %dot_general3A = arith.constant dense<0.000000e+00> : vector<4x2048xf32>
    %dot_general3A_5 = tpu.matmul %get3A_1, %get3A_4, %dot_general3A {dimension_numbers = #tpu.dot_dimension_numbers<[1], [1], [0], [0], [0, 0, 1, 0], [], []>, transpose_lhs_hint = false} : vector<4x128xf32>, vector<2048x128xf32>, vector<4x2048xf32> -> vector<4x2048xf32>
    %swap3A = arith.constant 0 : index
    %swap3A_6 = arith.constant 0 : index
    %swap3A_7 = vector.load %arg3[%swap3A, %swap3A_6] : memref<4x2048xf32, #tpu.memory_space<vmem>>, vector<4x2048xf32>
    tpu.vector_store %arg3[%swap3A, %swap3A_6], %dot_general3A_5 {strides = array<i32>} : memref<4x2048xf32, #tpu.memory_space<vmem>>, vector<4x2048xf32>,
    return
  }
  func.func @transform_0(%arg0: i32) -> (i32, i32) {
    %c0_i32 = arith.constant 0 : i32
    %c0_i32_0 = arith.constant 0 : i32
    return %arg0, %c0_i32 : i32, i32
  }
  func.func @transform_1(%arg0: i32) -> (i32, i32) {
    %c0_i32 = arith.constant 0 : i32
    %c0_i32_0 = arith.constant 0 : i32
    %c0_i32_1 = arith.constant 0 : i32
    return %c0_i32, %c0_i32_0 : i32, i32
  }
  func.func @transform_2(%arg0: i32) -> (i32, i32) {
    %c0_i32 = arith.constant 0 : i32
    %c0_i32_0 = arith.constant 0 : i32
    return %c0_i32, %arg0 : i32, i32
  }
}

module attributes {stable_mosaic.version = 14 : i64} {
  func.func @_prep_body(%arg0: memref<4x10240xf32, #tpu.memory_space<vmem>>, %arg1: memref<1x10240xf32, #tpu.memory_space<vmem>>, %arg2: memref<1x10240xf32, #tpu.memory_space<vmem>>, %arg3: memref<1x2xf32, #tpu.memory_space<smem>>, %arg4: memref<6x10240xf32, #tpu.memory_space<vmem>>) attributes {dimension_semantics = [], scalar_prefetch = 0 : i64, scratch_operands = 0 : i64, tpu.core_type = #tpu.core_type<tc>} {
    %get3A = arith.constant 0 : index
    %get3A_0 = arith.constant 0 : index
    %get3A_1 = vector.load %arg1[%get3A, %get3A_0] : memref<1x10240xf32, #tpu.memory_space<vmem>>, vector<1x10240xf32>
    %get3A_2 = arith.constant 0 : index
    %get3A_3 = arith.constant 0 : index
    %get3A_4 = vector.load %arg2[%get3A_2, %get3A_3] : memref<1x10240xf32, #tpu.memory_space<vmem>>, vector<1x10240xf32>
    %add3A = arith.addf %get3A_1, %get3A_4 : vector<1x10240xf32>
    %get3A_5 = arith.constant 0 : index
    %get3A_6 = arith.constant 0 : index
    %get3A_7 = memref.load %arg3[%get3A_5, %get3A_6] : memref<1x2xf32, #tpu.memory_space<smem>>
    %get3A_8 = arith.constant 0 : index
    %get3A_9 = arith.constant 1 : index
    %get3A_10 = memref.load %arg3[%get3A_8, %get3A_9] : memref<1x2xf32, #tpu.memory_space<smem>>
    %add3A_11 = arith.constant 1.000000e+00 : f32
    %add3A_12 = vector.broadcast %add3A_11 : f32 to vector<1x10240xf32>
    %add3A_13 = arith.addf %add3A, %add3A_12 : vector<1x10240xf32>
    %rsqrt3A = math.rsqrt %add3A_13 : vector<1x10240xf32>
    %get3A_14 = arith.constant 0 : index
    %get3A_15 = arith.constant 0 : index
    %get3A_16 = vector.load %arg0[%get3A_14, %get3A_15] : memref<4x10240xf32, #tpu.memory_space<vmem>>, vector<1x10240xf32>
    %get3A_17 = arith.constant 1 : index
    %get3A_18 = arith.constant 0 : index
    %get3A_19 = vector.load %arg0[%get3A_17, %get3A_18] : memref<4x10240xf32, #tpu.memory_space<vmem>>, vector<1x10240xf32>
    %get3A_20 = arith.constant 2 : index
    %get3A_21 = arith.constant 0 : index
    %get3A_22 = vector.load %arg0[%get3A_20, %get3A_21] : memref<4x10240xf32, #tpu.memory_space<vmem>>, vector<1x10240xf32>
    %mul3A = arith.mulf %get3A_22, %rsqrt3A : vector<1x10240xf32>
    %sqrt3A = math.sqrt %add3A : vector<1x10240xf32>
    %mul3A_23 = vector.broadcast %get3A_7 : f32 to vector<1x10240xf32>
    %mul3A_24 = arith.mulf %mul3A_23, %sqrt3A : vector<1x10240xf32>
    %add3A_25 = vector.broadcast %get3A_10 : f32 to vector<1x10240xf32>
    %add3A_26 = arith.addf %mul3A_24, %add3A_25 : vector<1x10240xf32>
    %logistic3A = arith.negf %add3A_26 : vector<1x10240xf32>
    %logistic3A_27 = math.exp %logistic3A : vector<1x10240xf32>
    %logistic3A_28 = arith.constant 1.000000e+00 : f32
    %logistic3A_29 = vector.broadcast %logistic3A_28 : f32 to vector<1x10240xf32>
    %logistic3A_30 = arith.addf %logistic3A_29, %logistic3A_27 : vector<1x10240xf32>
    %logistic3A_31 = arith.divf %logistic3A_29, %logistic3A_30 : vector<1x10240xf32>
    %logistic3A_32 = arith.negf %get3A_16 : vector<1x10240xf32>
    %logistic3A_33 = math.exp %logistic3A_32 : vector<1x10240xf32>
    %logistic3A_34 = arith.constant 1.000000e+00 : f32
    %logistic3A_35 = vector.broadcast %logistic3A_34 : f32 to vector<1x10240xf32>
    %logistic3A_36 = arith.addf %logistic3A_35, %logistic3A_33 : vector<1x10240xf32>
    %logistic3A_37 = arith.divf %logistic3A_35, %logistic3A_36 : vector<1x10240xf32>
    %add3A_38 = arith.constant 1.000000e+00 : f32
    %add3A_39 = vector.broadcast %add3A_38 : f32 to vector<1x10240xf32>
    %add3A_40 = arith.addf %add3A, %add3A_39 : vector<1x10240xf32>
    %div3A = arith.divf %get3A_22, %add3A_40 : vector<1x10240xf32>
    %concatenate3A = tpu.concatenate %mul3A, %logistic3A_31, %logistic3A_37, %get3A_19, %rsqrt3A, %div3A in 0 : vector<1x10240xf32>, vector<1x10240xf32>, vector<1x10240xf32>, vector<1x10240xf32>, vector<1x10240xf32>, vector<1x10240xf32> -> vector<6x10240xf32>
    %swap3A = arith.constant 0 : index
    %swap3A_41 = arith.constant 0 : index
    %swap3A_42 = vector.load %arg4[%swap3A, %swap3A_41] : memref<6x10240xf32, #tpu.memory_space<vmem>>, vector<6x10240xf32>
    tpu.vector_store %arg4[%swap3A, %swap3A_41], %concatenate3A {strides = array<i32>} : memref<6x10240xf32, #tpu.memory_space<vmem>>, vector<6x10240xf32>,
    return
  }
}

module attributes {stable_mosaic.version = 14 : i64} {
  func.func @_final_body(%arg0: memref<6x10240xf32, #tpu.memory_space<vmem>>, %arg1: memref<1x10240xf32, #tpu.memory_space<vmem>>, %arg2: memref<1x10240xf32, #tpu.memory_space<vmem>>, %arg3: memref<3x3xf32, #tpu.memory_space<smem>>, %arg4: memref<1x3xf32, #tpu.memory_space<smem>>, %arg5: memref<1x10240xf32, #tpu.memory_space<vmem>>) attributes {dimension_semantics = [], scalar_prefetch = 0 : i64, scratch_operands = 0 : i64, tpu.core_type = #tpu.core_type<tc>} {
    %get3A = arith.constant 0 : index
    %get3A_0 = arith.constant 0 : index
    %get3A_1 = vector.load %arg1[%get3A, %get3A_0] : memref<1x10240xf32, #tpu.memory_space<vmem>>, vector<1x10240xf32>
    %get3A_2 = arith.constant 0 : index
    %get3A_3 = arith.constant 0 : index
    %get3A_4 = vector.load %arg2[%get3A_2, %get3A_3] : memref<1x10240xf32, #tpu.memory_space<vmem>>, vector<1x10240xf32>
    %add3A = arith.addf %get3A_1, %get3A_4 : vector<1x10240xf32>
    %get3A_5 = arith.constant 4 : index
    %get3A_6 = arith.constant 0 : index
    %get3A_7 = vector.load %arg0[%get3A_5, %get3A_6] : memref<6x10240xf32, #tpu.memory_space<vmem>>, vector<1x10240xf32>
    %mul3A = arith.mulf %get3A_7, %add3A : vector<1x10240xf32>
    %get3A_8 = arith.constant 5 : index
    %get3A_9 = arith.constant 0 : index
    %get3A_10 = vector.load %arg0[%get3A_8, %get3A_9] : memref<6x10240xf32, #tpu.memory_space<vmem>>, vector<1x10240xf32>
    %add3A_11 = arith.addf %mul3A, %get3A_10 : vector<1x10240xf32>
    %get3A_12 = arith.constant 3 : index
    %get3A_13 = arith.constant 0 : index
    %get3A_14 = vector.load %arg0[%get3A_12, %get3A_13] : memref<6x10240xf32, #tpu.memory_space<vmem>>, vector<1x10240xf32>
    %add3A_15 = arith.addf %add3A_11, %get3A_14 : vector<1x10240xf32>
    %logistic3A = arith.negf %add3A_15 : vector<1x10240xf32>
    %logistic3A_16 = math.exp %logistic3A : vector<1x10240xf32>
    %logistic3A_17 = arith.constant 1.000000e+00 : f32
    %logistic3A_18 = vector.broadcast %logistic3A_17 : f32 to vector<1x10240xf32>
    %logistic3A_19 = arith.addf %logistic3A_18, %logistic3A_16 : vector<1x10240xf32>
    %logistic3A_20 = arith.divf %logistic3A_18, %logistic3A_19 : vector<1x10240xf32>
    %get3A_21 = arith.constant 1 : index
    %get3A_22 = arith.constant 0 : index
    %get3A_23 = vector.load %arg0[%get3A_21, %get3A_22] : memref<6x10240xf32, #tpu.memory_space<vmem>>, vector<1x10240xf32>
    %get3A_24 = arith.constant 2 : index
    %get3A_25 = arith.constant 0 : index
    %get3A_26 = vector.load %arg0[%get3A_24, %get3A_25] : memref<6x10240xf32, #tpu.memory_space<vmem>>, vector<1x10240xf32>
    %get3A_27 = arith.constant 0 : index
    %get3A_28 = arith.constant 0 : index
    %get3A_29 = memref.load %arg3[%get3A_27, %get3A_28] : memref<3x3xf32, #tpu.memory_space<smem>>
    %mul3A_30 = vector.broadcast %get3A_29 : f32 to vector<1x10240xf32>
    %mul3A_31 = arith.mulf %mul3A_30, %get3A_23 : vector<1x10240xf32>
    %get3A_32 = arith.constant 0 : index
    %get3A_33 = arith.constant 1 : index
    %get3A_34 = memref.load %arg3[%get3A_32, %get3A_33] : memref<3x3xf32, #tpu.memory_space<smem>>
    %mul3A_35 = vector.broadcast %get3A_34 : f32 to vector<1x10240xf32>
    %mul3A_36 = arith.mulf %mul3A_35, %get3A_26 : vector<1x10240xf32>
    %add3A_37 = arith.addf %mul3A_31, %mul3A_36 : vector<1x10240xf32>
    %get3A_38 = arith.constant 0 : index
    %get3A_39 = arith.constant 2 : index
    %get3A_40 = memref.load %arg3[%get3A_38, %get3A_39] : memref<3x3xf32, #tpu.memory_space<smem>>
    %mul3A_41 = vector.broadcast %get3A_40 : f32 to vector<1x10240xf32>
    %mul3A_42 = arith.mulf %mul3A_41, %logistic3A_20 : vector<1x10240xf32>
    %add3A_43 = arith.addf %add3A_37, %mul3A_42 : vector<1x10240xf32>
    %get3A_44 = arith.constant 0 : index
    %get3A_45 = arith.constant 0 : index
    %get3A_46 = memref.load %arg4[%get3A_44, %get3A_45] : memref<1x3xf32, #tpu.memory_space<smem>>
    %add3A_47 = vector.broadcast %get3A_46 : f32 to vector<1x10240xf32>
    %add3A_48 = arith.addf %add3A_43, %add3A_47 : vector<1x10240xf32>
    %get3A_49 = arith.constant 1 : index
    %get3A_50 = arith.constant 0 : index
    %get3A_51 = memref.load %arg3[%get3A_49, %get3A_50] : memref<3x3xf32, #tpu.memory_space<smem>>
    %mul3A_52 = vector.broadcast %get3A_51 : f32 to vector<1x10240xf32>
    %mul3A_53 = arith.mulf %mul3A_52, %get3A_23 : vector<1x10240xf32>
    %get3A_54 = arith.constant 1 : index
    %get3A_55 = arith.constant 1 : index
    %get3A_56 = memref.load %arg3[%get3A_54, %get3A_55] : memref<3x3xf32, #tpu.memory_space<smem>>
    %mul3A_57 = vector.broadcast %get3A_56 : f32 to vector<1x10240xf32>
    %mul3A_58 = arith.mulf %mul3A_57, %get3A_26 : vector<1x10240xf32>
    %add3A_59 = arith.addf %mul3A_53, %mul3A_58 : vector<1x10240xf32>
    %get3A_60 = arith.constant 1 : index
    %get3A_61 = arith.constant 2 : index
    %get3A_62 = memref.load %arg3[%get3A_60, %get3A_61] : memref<3x3xf32, #tpu.memory_space<smem>>
    %mul3A_63 = vector.broadcast %get3A_62 : f32 to vector<1x10240xf32>
    %mul3A_64 = arith.mulf %mul3A_63, %logistic3A_20 : vector<1x10240xf32>
    %add3A_65 = arith.addf %add3A_59, %mul3A_64 : vector<1x10240xf32>
    %get3A_66 = arith.constant 0 : index
    %get3A_67 = arith.constant 1 : index
    %get3A_68 = memref.load %arg4[%get3A_66, %get3A_67] : memref<1x3xf32, #tpu.memory_space<smem>>
    %add3A_69 = vector.broadcast %get3A_68 : f32 to vector<1x10240xf32>
    %add3A_70 = arith.addf %add3A_65, %add3A_69 : vector<1x10240xf32>
    %get3A_71 = arith.constant 2 : index
    %get3A_72 = arith.constant 0 : index
    %get3A_73 = memref.load %arg3[%get3A_71, %get3A_72] : memref<3x3xf32, #tpu.memory_space<smem>>
    %mul3A_74 = vector.broadcast %get3A_73 : f32 to vector<1x10240xf32>
    %mul3A_75 = arith.mulf %mul3A_74, %get3A_23 : vector<1x10240xf32>
    %get3A_76 = arith.constant 2 : index
    %get3A_77 = arith.constant 1 : index
    %get3A_78 = memref.load %arg3[%get3A_76, %get3A_77] : memref<3x3xf32, #tpu.memory_space<smem>>
    %mul3A_79 = vector.broadcast %get3A_78 : f32 to vector<1x10240xf32>
    %mul3A_80 = arith.mulf %mul3A_79, %get3A_26 : vector<1x10240xf32>
    %add3A_81 = arith.addf %mul3A_75, %mul3A_80 : vector<1x10240xf32>
    %get3A_82 = arith.constant 2 : index
    %get3A_83 = arith.constant 2 : index
    %get3A_84 = memref.load %arg3[%get3A_82, %get3A_83] : memref<3x3xf32, #tpu.memory_space<smem>>
    %mul3A_85 = vector.broadcast %get3A_84 : f32 to vector<1x10240xf32>
    %mul3A_86 = arith.mulf %mul3A_85, %logistic3A_20 : vector<1x10240xf32>
    %add3A_87 = arith.addf %add3A_81, %mul3A_86 : vector<1x10240xf32>
    %get3A_88 = arith.constant 0 : index
    %get3A_89 = arith.constant 2 : index
    %get3A_90 = memref.load %arg4[%get3A_88, %get3A_89] : memref<1x3xf32, #tpu.memory_space<smem>>
    %add3A_91 = vector.broadcast %get3A_90 : f32 to vector<1x10240xf32>
    %add3A_92 = arith.addf %add3A_87, %add3A_91 : vector<1x10240xf32>
    %max3A = arith.maximumf %add3A_48, %add3A_70 : vector<1x10240xf32>
    %max3A_93 = arith.maximumf %max3A, %add3A_92 : vector<1x10240xf32>
    %sub3A = arith.subf %add3A_48, %max3A_93 : vector<1x10240xf32>
    %exp3A = math.exp %sub3A : vector<1x10240xf32>
    %sub3A_94 = arith.subf %add3A_70, %max3A_93 : vector<1x10240xf32>
    %exp3A_95 = math.exp %sub3A_94 : vector<1x10240xf32>
    %sub3A_96 = arith.subf %add3A_92, %max3A_93 : vector<1x10240xf32>
    %exp3A_97 = math.exp %sub3A_96 : vector<1x10240xf32>
    %add3A_98 = arith.addf %exp3A, %exp3A_95 : vector<1x10240xf32>
    %add3A_99 = arith.addf %add3A_98, %exp3A_97 : vector<1x10240xf32>
    %mul3A_100 = arith.mulf %exp3A, %get3A_23 : vector<1x10240xf32>
    %mul3A_101 = arith.mulf %exp3A_95, %get3A_26 : vector<1x10240xf32>
    %add3A_102 = arith.addf %mul3A_100, %mul3A_101 : vector<1x10240xf32>
    %mul3A_103 = arith.mulf %exp3A_97, %logistic3A_20 : vector<1x10240xf32>
    %add3A_104 = arith.addf %add3A_102, %mul3A_103 : vector<1x10240xf32>
    %div3A = arith.divf %add3A_104, %add3A_99 : vector<1x10240xf32>
    %swap3A = arith.constant 0 : index
    %swap3A_105 = arith.constant 0 : index
    %swap3A_106 = vector.load %arg5[%swap3A, %swap3A_105] : memref<1x10240xf32, #tpu.memory_space<vmem>>, vector<1x10240xf32>
    tpu.vector_store %arg5[%swap3A, %swap3A_105], %div3A {strides = array<i32>} : memref<1x10240xf32, #tpu.memory_space<vmem>>, vector<1x10240xf32>,
    return
  }
}

</mosaic_0001>

<sc_bundles>
// kernel: kernel.10.cloned.1.call-start
scs
__scs_entry_jumppad:
0x0: {  	(pc) =	sbr.rel $0x88, $3  }
0x1: {  	(tag) =	ssettag $0x0;
	lr =	simm.s32 $0x1  }
0x2: {  	[smem:$0x3F98] =	sst lr;
	_ =	strace $0xD0000000  }
0x3: {  	_ = 	snop  }
0x4: {  	_ = 	snop  }
0x5: {  	_ = 	snop  }
0x6: {  	_ = 	snop  }
0x7: {  	_ = 	snop  }
__scs_overlays_trampoline_lowered:
0x8: {  	[smem:$0x3FA7] =	sst s0  }
0x9: {  	[smem:$0x3FA8] =	sst s1  }
0xa: {  	[smem:$0x3FA9] =	sst s2  }
0xb: {  	[smem:$0x3FAA] =	sst s3  }
0xc: {  	[smem:$0x3FAB] =	sst s4  }
0xd: {  	[smem:$0x3FAC] =	sst s5  }
0xe: {  	[smem:$0x3FAD] =	sst s6  }
0xf: {  	[smem:$0x3FAE] =	sst s7  }
0x10: {  	[smem:$0x3FAF] =	sst s8  }
0x11: {  	[smem:$0x3FB0] =	sst s9;
	s0 =	simm.s32 @!p0 $0x0  }
0x12: {  	s1 =	sld [smem:$0x3F96];
	s0 =	simm.s32 @p0 $0x1  }
0x13: {  	[smem:$0x3FB1] =	sst s0;
	s0 =	simm.s32 @!p1 $0x0  }
0x14: {  	s2 =	sld [smem:$0x3F95];
	s0 =	simm.s32 @p1 $0x1  }
0x15: {  	[smem:$0x3FB2] =	sst s0;
	s0 =	simm.s32 @!p2 $0x0  }
0x16: {  	s3 =	sld [smem:$0x3FDB];
	s0 =	simm.s32 @p2 $0x1  }
0x17: {  	s4 =	simm.s32 $0x1BF5;
	[smem:$0x3FB4] =	sst s0  }
0x18: {  	s0 =	sld [smem:$0x3F97];
	_ =	swait.ge [sflag:s4], $0x0  }
0x19: {  	s7 =	sld [smem:$0x3F98]  }
0x1a: {  	s8 =	sadd.s32 $0xFFFFE003, lr  }
0x1b: {  	s9 =	sadd.s32 $0xFFFFFEF7, lr;
	s5 =	simm.s32 $0xFFFFFFFF;
	p2 =	slt.u32 s8, $0xFFFFF086  }
0x1c: {  	p1 =	slt.u32 s9, $0xF7A;
	s5 =	simm.s32 @!p2 $0x0  }
0x1d: {  	s5 =	simm.s32 @p1 $0x1;
	p0 =	seq.s32 s7, s2  }
0x1e: {  	s7 =	smul.u32 @!p0 $0xF7A, s2;
	p2 =	seq.s32 @!p0 s5, $0x0  }
0x1f: {  	s9 =	smul.u32 $0xF7A, s1;
	s8 =	simm.s32 @!p0 $0x1BF5;
	p2 =	por !p2, p0  }
0x20: {  	[sflag:s8] =	ssyncset.s32 @!p0 $0xFFFFF086;
	s6 =	sadd.s32 @!p0 s3, s7;
	s7 =	simm.s32 @!p0 $0x108  }
0x21: {  	s3 =	sadd.s32 s3, s9;
	s6 =	sadd.s32 @!p0 $0x88, s6;
	s7 =	simm.s32 @p2 $0x1082  }
0x22: {  	[simem:s7], [sflag:s8] =	dma.local @!p0 [hbm:s6], $0xF7A  }
0x23: {  	s9 =	sor.u32 $0xD0000000, s2;
	s6 =	simm.s32 $0x108;
	_ =	swait.ge @!p0 [sflag:s8], $0x0  }
0x24: {  	s3 =	sadd.s32 $0x88, s3;
	s6 =	simm.s32 @!p1 $0x1082;
	[sflag:s4] =	ssyncset.s32 $0xFFFFF086  }
0x25: {  	[simem:s6], [sflag:s4] =	dma.local [hbm:s3], $0xF7A  }
0x26: {  	[smem:$0x3F98] =	sst s1;
	(tag) =	ssettag s2;
	_ =	strace s9  }
0x27: {  	s1 =	sld [smem:$0x3FA8]  }
0x28: {  	s2 =	sld [smem:$0x3FA9]  }
0x29: {  	s4 =	sld [smem:$0x3FAB]  }
0x2a: {  	p0 =	seq.s32 s5, $0x0;
	s5 =	sld [smem:$0x3FAC]  }
0x2b: {  	s6 =	sld [smem:$0x3FAD]  }
0x2c: {  	s7 =	sld [smem:$0x3FAE]  }
0x2d: {  	s3 =	simm.s32 $0x108;
	s8 =	sld [smem:$0x3FAF]  }
0x2e: {  	s3 =	simm.s32 @!p0 $0x1082;
	s9 =	sld [smem:$0x3FB0]  }
0x2f: {  	lr =	sadd.s32 s0, s3;
	s0 =	sld [smem:$0x3FA7]  }
0x30: {  	s3 =	sld [smem:$0x3FAA]  }
0x31: {  	[smem:$0x3FB3] =	sst s10  }
0x32: {  	s10 =	sld [smem:$0x3FB1];
	_ =	sdelay $0x3  }
0x33: {  	p0 =	seq.s32 s10, $0x1;
	s10 =	sld [smem:$0x3FB3];
	_ =	sdelay $0x3  }
0x34: {  	[smem:$0x3FB3] =	sst s10  }
0x35: {  	s10 =	sld [smem:$0x3FB2];
	_ =	sdelay $0x3  }
0x36: {  	p1 =	seq.s32 s10, $0x1;
	s10 =	sld [smem:$0x3FB3];
	_ =	sdelay $0x3  }
0x37: {  	[smem:$0x3FB3] =	sst s10  }
0x38: {  	s10 =	sld [smem:$0x3FB4]  }
0x39: {  	_ = 	snop;
	(pc) =	sbr.ind lr, $3  }
0x3a: {  	_ = 	snop  }
0x3b: {  	_ = 	snop  }
0x3c: {  	p2 =	seq.s32 s10, $0x1;
	s10 =	sld [smem:$0x3FB3]  }
0x3d: {  	_ =	shalt  }
0x3e: {  	_ =	shalt  }
0x3f: {  	_ =	shalt  }
0x40: {  	_ =	shalt  }
0x41: {  	_ =	shalt  }
0x42: {  	_ =	shalt  }
0x43: {  	_ =	shalt  }
0x44: {  	_ =	shalt  }
0x45: {  	_ =	shalt  }
0x46: {  	_ =	shalt  }
0x47: {  	_ =	shalt  }
0x48: {  	_ =	shalt  }
0x49: {  	_ =	shalt  }
0x4a: {  	_ =	shalt  }
0x4b: {  	_ =	shalt  }
0x4c: {  	_ =	shalt  }
0x4d: {  	_ =	shalt  }
0x4e: {  	_ =	shalt  }
0x4f: {  	_ =	shalt  }
0x50: {  	_ =	shalt  }
0x51: {  	_ =	shalt  }
0x52: {  	_ =	shalt  }
0x53: {  	_ =	shalt  }
0x54: {  	_ =	shalt  }
0x55: {  	_ =	shalt  }
0x56: {  	_ =	shalt  }
0x57: {  	_ =	shalt  }
0x58: {  	_ =	shalt  }
0x59: {  	_ =	shalt  }
0x5a: {  	_ =	shalt  }
0x5b: {  	_ =	shalt  }
0x5c: {  	_ =	shalt  }
0x5d: {  	_ =	shalt  }
0x5e: {  	_ =	shalt  }
0x5f: {  	_ =	shalt  }
0x60: {  	_ =	shalt  }
0x61: {  	_ =	shalt  }
0x62: {  	_ =	shalt  }
0x63: {  	_ =	shalt  }
0x64: {  	_ =	shalt  }
0x65: {  	_ =	shalt  }
0x66: {  	_ =	shalt  }
0x67: {  	_ =	shalt  }
0x68: {  	_ =	shalt  }
0x69: {  	_ =	shalt  }
0x6a: {  	_ =	shalt  }
0x6b: {  	_ =	shalt  }
0x6c: {  	_ =	shalt  }
0x6d: {  	_ =	shalt  }
0x6e: {  	_ =	shalt  }
0x6f: {  	_ =	shalt  }
0x70: {  	_ =	shalt  }
0x71: {  	_ =	shalt  }
0x72: {  	_ =	shalt  }
0x73: {  	_ =	shalt  }
0x74: {  	_ =	shalt  }
0x75: {  	_ =	shalt  }
0x76: {  	_ =	shalt  }
0x77: {  	_ =	shalt  }
0x78: {  	_ =	shalt  }
0x79: {  	_ =	shalt  }
0x7a: {  	_ =	shalt  }
0x7b: {  	_ =	shalt  }
0x7c: {  	_ =	shalt  }
0x7d: {  	_ =	shalt  }
0x7e: {  	_ =	shalt  }
0x7f: {  	_ =	shalt  }
0x80: {  	_ =	shalt  }
0x81: {  	_ =	shalt  }
0x82: {  	_ =	shalt  }
0x83: {  	_ =	shalt  }
0x84: {  	_ =	shalt  }
0x85: {  	_ =	shalt  }
0x86: {  	_ =	shalt  }
0x87: {  	_ =	shalt  }
.Lfunc_end0:
.L_simem_size_0:
called_computation.1_lowered:
.L_overlay_start_0:
0x88: {  	s2 =	sld [smem:$0x3FD9]  }
0x89: {  	s3 =	sld [smem:$0x3FFE];
	_ =	sdelay $0x1  }
0x8a: {  	s1 =	srdreg.scid  }
0x8b: {  	s0 =	sand.u32 $0x1, s1  }
0x8c: {  	s17 =	sshll.u32 s0, $0xA;
	s2 =	sadd.s32 s3, s2  }
0x8d: {  	s2 =	sadd.s32 s2, s17  }
0x8e: {  	[smem:$0x3FBF] =	sst s2  }
0x8f: {  	_ = 	snop  }
0x90: {  	s2 =	sld [smem:$0x3FD0];
	(tm) =	ssettm $0x1  }
0x91: {  	s18 =	sld [smem:$0x3FFB];
	_ =	sdelay $0x3  }
0x92: {  	_ =	strace s18  }
0x93: {  	s3 =	sld [smem:$0x3FFC];
	_ =	sdelay $0x3  }
0x94: {  	_ =	strace s3  }
0x95: {  	s3 =	sld [smem:$0x3FFD];
	_ =	sdelay $0x3  }
0x96: {  	_ =	strace s3  }
0x97: {  	_ =	strace $0x8FFFFFFF  }
0x98: {  	s19 =	sld [smem:$0x3FDB];
	_ =	sdelay $0x1  }
0x99: {  	s4 =	simm.s32 $_scs_section_size  }
0x9a: {  	s5 =	simm.s32 $_size__tile_overlayer_lowered;
	s6 =	simm.s32 $_tile_overlayer_lowered  }
0x9b: {  	s22 =	simm.s32 $0x1BFF;
	s21 =	sshll.u32 s6, $0x1;
	s3 =	sadd.s32 s4, s19  }
0x9c: {  	s7 =	simm.s32 $0x0;
	s20 =	sshll.u32 s5, $0x1;
	s5 =	sadd.s32 s21, s3  }
0x9d: {  	[timem:s7], [sflag:s22] =	dma.local [hbm:s5], s20  }
0x9e: {  	_ =	swait.ge [sflag:s22], s20  }
0x9f: {  	s4 =	ssub.s32 $0x0, s20;
	[sflag:s22] =	ssyncset.done $0x0  }
0xa0: {  	[sflag:s22] =	ssyncadd.s32 s4;
	_ =	sdelay $0x1  }
0xa1: {  	s23 =	simm.s32 $0x1B8B  }
0xa2: {  	_ =	swait.ge [sflag:s23], $0x1  }
0xa3: {  	[sflag:s23] =	ssyncset.done $0x0  }
0xa4: {  	s25 =	simm.s32 $0x1B8E;
	s24 =	sld [smem:$0x3FFE];
	[sflag:s23] =	ssyncadd.s32 $0xFFFFFFFF  }
0xa5: {  	s26 =	simm.s32 $execute0_lowered;
	[smem:$0x3FD2] =	sst s25  }
0xa6: {  	s5 =	sshll.u32 s26, $0x1;
	_ =	strace $0x80000049;
	[dreg:$0x1] =	wrdreg $0xFFFFFFFF  }
0xa7: {  	s28 =	simm.s32 $_size_execute0_lowered;
	s3 =	sadd.s32 s3, s5;
	[dreg:$0x0] =	wrdreg $0x0  }
0xa8: {  	s5 =	sshll.u32 s28, $0x1;
	[dreg:$0x2] =	wrdreg s3  }
0xa9: {  	[dreg:$0x3] =	wrdreg s5  }
0xaa: {  	[dreg:$0x4] =	wrdreg $0xC0  }
0xab: {  	_ =	task [dreg:s7], $0x5FFFF  }
0xac: {  	[dreg:$0x1] =	wrdreg $0xFFFFFFFF  }
0xad: {  	[dreg:$0x0] =	wrdreg $0x60  }
0xae: {  	[dreg:$0x2] =	wrdreg s24  }
0xaf: {  	[dreg:$0x3] =	wrdreg s2  }
0xb0: {  	[dreg:$0x4] =	wrdreg $0xA2800  }
0xb1: {  	[dreg:$0x5] =	wrdreg $0x9  }
0xb2: {  	_ =	task.clear_ibuf [dreg:s7], $0x6FFFF;
	_ =	strace $0x90000049  }
0xb3: {  	s29 =	simm.s32 $0x9;
	_ =	strace $0x8000004B  }
0xb4: {  	_ =	swait.ge [sflag:s29], $0x1  }
0xb5: {  	[sflag:s29] =	ssyncadd.s32 $0xFFFFFFFF  }
0xb6: {  	_ =	strace $0x9000004B  }
0xb7: {  	_ =	sfence  }
0xb8: {  	s30 =	sld [smem:$0x0];
	_ =	sdelay $0x2  }
0xb9: {  	s31 =	sshll.u32 s1, $0xD;
	s1 =	sshrl.u32 s1, $0x2  }
0xba: {  	s3 =	sand.u32 $0x4000, s31;
	s1 =	sadd.s32 s1, s30  }
0xbb: {  	s0 =	sor.u32 s3, s0;
	s1 =	sshll.u32 s1, $0x11  }
0xbc: {  	s0 =	sor.u32 s1, s0  }
0xbd: {  	s0 =	sadd.s32 $0x8F2B, s0  }
0xbe: {  	[sflag:s0] =	ssyncadd.remote.s32 $0x1  }
0xbf: {  	_ =	sfence.sel $0xFFFF  }
0xc0: {  	[dreg:$0x0] =	wrdreg $0xFFFFFFFF;
	(pc) =	sbr.abs _section_cstart, $3  }
0xc1: {  	[dreg:$0x1] =	wrdreg $0xFFFFFFFF  }
0xc2: {  	_ =	task.clear_ibuf [dreg:s7], $0x2FFFF;
	_ =	strace $0x9FFFFFFF  }
0xc3: {  	(tm) =	ssettm $0x7FFFFFFF  }
tec
execute0_lowered:
.L_overlay_start_1:
0x0: {  	(tag) =	ssettag $0x1  }
0x1: {  	s5 =	rddreg [dreg:$0x0]  }
0x2: {  	s0 =	srdreg.scid;
	s9 =	rddreg [dreg:$0x1]  }
0x3: {  	s2 =	rddreg [dreg:$0x2];
	s3 =	simm.s32 $0x0;
	s13 =	simm.s32 $0x400  }
0x4: {  	s14 =	simm.s32 $0x2800;
	s15 =	simm.s32 $0x1;
	s16 =	simm.s32 $0x7800  }
0x5: {  	s7 =	sand.u32 $0x1, s0;
	s0 =	stileid.u32;
	[smem:$0x7FF] =	sst s3  }
0x6: {  	s12 =	sadd.s32 $0x19200, s5;
	s1 =	sshll.u32 s7, $0x4;
	s6 =	ssub.s32 $0x2, s7  }
0x7: {  	s11 =	smul.u32 $0x280, s0;
	p0 =	seq.s32 s7, $0x1;
	s4 =	sor.u32 s0, s1  }
0x8: {  	s17 =	sshll.u32 s0, $0x6;
	s1 =	rddreg [dreg:$0x3];
	s4 =	smul.u32 $0x2800, s4  }
0x9: {  	_ =	strace $0x8000004A;
	s10 =	sshrl.u32 s6, $0x1;
	s9 =	smov.u32 @p0 s12  }
0xa: {  	s12 =	simm.s32 $0x80;
	s17 =	sor.u32 $0x1C02, s17;
	s4 =	sshrl.u32 s4, $0x3  }
0xb: {  	s10 =	ssub.s32 s6, s10;
	s8 =	sadd.s32 s4, s5;
	s4 =	sadd.s32 $0x16A00, s5  }
0xc: {  	s5 =	sadd.s32 s11, s2;
	s11 =	sshrl.u32 s11, $0x3;
	s6 =	sadd.s32 $0x2A00, s8  }
0xd: {  	s7 =	sadd.s32 $0xCA00, s8;
	s8 =	smax.u32 s10, $0x1;
	s9 =	sadd.s32 s9, s11  }
0xe: {  	v0 =	vimm.f32 $0.0e+00;
	s10 =	simm.s32 $0xA000;
	s11 =	simm.s32 $0x2;
	s18 =	sshrl.u32 s5, $0x3  }
.LBB2_1:
0xf: {  	[tilespmem:$0xA000] =	vst v0  }
0x10: {  	[tilespmem:$0xA010] =	vst v0  }
0x11: {  	[tilespmem:$0xA020] =	vst v0  }
0x12: {  	[tilespmem:$0xA030] =	vst v0  }
0x13: {  	[tilespmem:$0xA040] =	vst v0  }
0x14: {  	[tilespmem:$0xA050] =	vst v0  }
0x15: {  	[tilespmem:$0xA060] =	vst v0  }
0x16: {  	[tilespmem:$0xA070] =	vst v0  }
0x17: {  	[tilespmem:$0xA080] =	vst v0  }
0x18: {  	[tilespmem:$0xA090] =	vst v0  }
0x19: {  	[tilespmem:$0xA0A0] =	vst v0  }
0x1a: {  	[tilespmem:$0xA0B0] =	vst v0  }
0x1b: {  	[tilespmem:$0xA0C0] =	vst v0  }
0x1c: {  	[tilespmem:$0xA0D0] =	vst v0  }
0x1d: {  	[tilespmem:$0xA0E0] =	vst v0  }
0x1e: {  	[tilespmem:$0xA0F0] =	vst v0  }
0x1f: {  	[tilespmem:$0xA100] =	vst v0  }
0x20: {  	[tilespmem:$0xA110] =	vst v0  }
0x21: {  	[tilespmem:$0xA120] =	vst v0  }
0x22: {  	[tilespmem:$0xA130] =	vst v0  }
0x23: {  	[tilespmem:$0xA140] =	vst v0  }
0x24: {  	[tilespmem:$0xA150] =	vst v0  }
0x25: {  	[tilespmem:$0xA160] =	vst v0  }
0x26: {  	[tilespmem:$0xA170] =	vst v0  }
0x27: {  	[tilespmem:$0xA180] =	vst v0  }
0x28: {  	[tilespmem:$0xA190] =	vst v0  }
0x29: {  	[tilespmem:$0xA1A0] =	vst v0  }
0x2a: {  	[tilespmem:$0xA1B0] =	vst v0  }
0x2b: {  	[tilespmem:$0xA1C0] =	vst v0  }
0x2c: {  	[tilespmem:$0xA1D0] =	vst v0  }
0x2d: {  	[tilespmem:$0xA1E0] =	vst v0  }
0x2e: {  	[tilespmem:$0xA1F0] =	vst v0  }
0x2f: {  	[tilespmem:$0xA200] =	vst v0  }
0x30: {  	[tilespmem:$0xA210] =	vst v0  }
0x31: {  	[tilespmem:$0xA220] =	vst v0  }
0x32: {  	[tilespmem:$0xA230] =	vst v0  }
0x33: {  	[tilespmem:$0xA240] =	vst v0  }
0x34: {  	[tilespmem:$0xA250] =	vst v0  }
0x35: {  	[tilespmem:$0xA260] =	vst v0  }
0x36: {  	[tilespmem:$0xA270] =	vst v0;
	s19 =	sadd.s32 $0x0, s0  }
0x37: {  	[spmem:s5] =	stream.linear.scatter [tilespmem:s10], [sflag:$0x2], $0x280, $0x38;
	[tilespmem:$0xA500] =	vst v63  }
0x38: {  	s20 =	sand.u32 $0xF, s19  }
0x39: {  	_ =	swait.ge [sflag:s11], $0x280;
	s21 =	smul.u32 $0xA00, s20  }
0x3a: {  	s19 =	simm.s32 $0x1;
	[sflag:s11] =	ssyncset.done $0x0  }
0x3b: {  	s20 =	smul.u32 $0x280, s20;
	[sflag:s11] =	ssyncadd.s32 $0xFFFFFD80;
	s21 =	sshrl.u32 s21, $0x2  }
.LBB2_2:
0x3c: {  	s22 =	sadd.s32 s19, s0  }
0x3d: {  	s21 =	sadd.s32 $0x7800, s21;
	s20 =	sadd.s32 s4, s20;
	p0 =	sne.s32 s19, $0xF  }
0x3e: {  	[tilespmem:s21], [sflag:$0x1] =	stream.strided.gather [hbm4b:s20+s12], $0x280, s13, s12, $0x38;
	[tilespmem:$0xA500] =	vst v63  }
.Ltmp0:
0x3f: {  	_ = 	snop;
	(pc) =	sbr.rel @p0 .LBB2_2-.Ltmp0, $4  }
0x40: {  	s19 =	sadd.s32 $0x1, s19;
	s20 =	sand.u32 $0xF, s22  }
0x41: {  	s21 =	smul.u32 $0xA00, s20  }
0x42: {  	s20 =	smul.u32 $0x280, s20  }
0x43: {  	s21 =	sshrl.u32 s21, $0x2  }
0x44: {  	s19 =	sadd.s32 $0x7800, s21;
	s20 =	sadd.s32 s4, s20  }
0x45: {  	[tilespmem:s19], [sflag:$0x1] =	stream.strided.gather [hbm4b:s20+s12], $0x280, s13, s12, $0x38;
	[tilespmem:$0xA500] =	vst v63  }
0x46: {  	s31 =	simm.s32 $0x0  }
0x47: {  	[tilespmem:s31], [sflag:$0x1] =	stream.linear.gather [hbm4b:s6+s31], $0x2800, $0x38;
	[tilespmem:$0xA500] =	vst v63  }
0x48: {  	_ = 	snop  }
0x49: {  	[tilespmem:s14], [sflag:$0x1] =	stream.linear.gather [hbm4b:s7+s31], $0x2800, $0x38;
	[tilespmem:$0xA500] =	vst v63  }
0x4a: {  	_ =	swait.ge [sflag:s15], $0x280  }
0x4b: {  	[sflag:s15] =	ssyncset.done $0x0  }
0x4c: {  	[sflag:s15] =	ssyncadd.s32 $0xFFFFFD80  }
0x4d: {  	_ =	swait.ge [sflag:s15], $0x280  }
0x4e: {  	[sflag:s15] =	ssyncset.done $0x0  }
0x4f: {  	[sflag:s15] =	ssyncadd.s32 $0xFFFFFD80  }
0x50: {  	_ =	swait.ge [sflag:s15], $0x280  }
0x51: {  	[sflag:s15] =	ssyncset.done $0x0  }
0x52: {  	[sflag:s15] =	ssyncadd.s32 $0xFFFFFD80  }
0x53: {  	_ =	swait.ge [sflag:s15], $0x280  }
0x54: {  	[sflag:s15] =	ssyncset.done $0x0  }
0x55: {  	[sflag:s15] =	ssyncadd.s32 $0xFFFFFD80  }
0x56: {  	_ =	swait.ge [sflag:s15], $0x280  }
0x57: {  	[sflag:s15] =	ssyncset.done $0x0  }
0x58: {  	[sflag:s15] =	ssyncadd.s32 $0xFFFFFD80  }
0x59: {  	_ =	swait.ge [sflag:s15], $0x280  }
0x5a: {  	[sflag:s15] =	ssyncset.done $0x0  }
0x5b: {  	[sflag:s15] =	ssyncadd.s32 $0xFFFFFD80  }
0x5c: {  	_ =	swait.ge [sflag:s15], $0x280  }
0x5d: {  	[sflag:s15] =	ssyncset.done $0x0  }
0x5e: {  	[sflag:s15] =	ssyncadd.s32 $0xFFFFFD80  }
0x5f: {  	_ =	swait.ge [sflag:s15], $0x280  }
0x60: {  	[sflag:s15] =	ssyncset.done $0x0  }
0x61: {  	[sflag:s15] =	ssyncadd.s32 $0xFFFFFD80  }
0x62: {  	_ =	swait.ge [sflag:s15], $0x280  }
0x63: {  	[sflag:s15] =	ssyncset.done $0x0  }
0x64: {  	[sflag:s15] =	ssyncadd.s32 $0xFFFFFD80  }
0x65: {  	_ =	swait.ge [sflag:s15], $0x280  }
0x66: {  	[sflag:s15] =	ssyncset.done $0x0  }
0x67: {  	[sflag:s15] =	ssyncadd.s32 $0xFFFFFD80  }
0x68: {  	_ =	swait.ge [sflag:s15], $0x280  }
0x69: {  	[sflag:s15] =	ssyncset.done $0x0  }
0x6a: {  	[sflag:s15] =	ssyncadd.s32 $0xFFFFFD80  }
0x6b: {  	_ =	swait.ge [sflag:s15], $0x280  }
0x6c: {  	[sflag:s15] =	ssyncset.done $0x0  }
0x6d: {  	[sflag:s15] =	ssyncadd.s32 $0xFFFFFD80  }
0x6e: {  	_ =	swait.ge [sflag:s15], $0x280  }
0x6f: {  	[sflag:s15] =	ssyncset.done $0x0  }
0x70: {  	[sflag:s15] =	ssyncadd.s32 $0xFFFFFD80  }
0x71: {  	_ =	swait.ge [sflag:s15], $0x280  }
0x72: {  	[sflag:s15] =	ssyncset.done $0x0  }
0x73: {  	[sflag:s15] =	ssyncadd.s32 $0xFFFFFD80  }
0x74: {  	_ =	swait.ge [sflag:s15], $0x280  }
0x75: {  	[sflag:s15] =	ssyncset.done $0x0  }
0x76: {  	[sflag:s15] =	ssyncadd.s32 $0xFFFFFD80  }
0x77: {  	_ =	swait.ge [sflag:s15], $0x280  }
0x78: {  	[sflag:s15] =	ssyncset.done $0x0  }
0x79: {  	[sflag:s15] =	ssyncadd.s32 $0xFFFFFD80  }
0x7a: {  	_ =	swait.ge [sflag:s15], $0x2800  }
0x7b: {  	[sflag:s15] =	ssyncset.done $0x0  }
0x7c: {  	[sflag:s15] =	ssyncadd.s32 $0xFFFFD800  }
0x7d: {  	_ =	swait.ge [sflag:s15], $0x2800  }
0x7e: {  	[sflag:s15] =	ssyncset.done $0x0  }
0x7f: {  	[sflag:s15] =	ssyncadd.s32 $0xFFFFD800  }
0x80: {  	s19 =	simm.s32 $0x0;
	[bflag:$0x0] =	sbarrier.arrive $0xFFFF  }
0x81: {  	s20 =	simm.s32 $0x200;
	v1 =	vld [tilespmem:s19+$0x0]  }
.LBB2_4:
0x82: {  	p0 =	sne.s32 s20, $0x9E00;
	_ =	sdelay $0x5  }
0x83: {  	v2 =	vld [tilespmem:s19+$0x10]  }
0x84: {  	v1 =	vld.idx.msk [tilespmem:v1+s16+$0x0], $0xffff;
	_ =	sdelay $0x5  }
0x85: {  	[tilespmem:s19+$0x5000] =	vst v1;
	v1 =	vld [tilespmem:s19+$0x20]  }
0x86: {  	v2 =	vld.idx.msk [tilespmem:v2+s16+$0x0], $0xffff;
	_ =	sdelay $0x5  }
0x87: {  	[tilespmem:s19+$0x5010] =	vst v2;
	v2 =	vld [tilespmem:s19+$0x30]  }
0x88: {  	v1 =	vld.idx.msk [tilespmem:v1+s16+$0x0], $0xffff;
	_ =	sdelay $0x5  }
0x89: {  	[tilespmem:s19+$0x5020] =	vst v1;
	v1 =	vld [tilespmem:s19+$0x40]  }
0x8a: {  	v2 =	vld.idx.msk [tilespmem:v2+s16+$0x0], $0xffff;
	_ =	sdelay $0x5  }
0x8b: {  	[tilespmem:s19+$0x5030] =	vst v2;
	v2 =	vld [tilespmem:s19+$0x50]  }
0x8c: {  	v1 =	vld.idx.msk [tilespmem:v1+s16+$0x0], $0xffff;
	_ =	sdelay $0x5  }
0x8d: {  	[tilespmem:s19+$0x5040] =	vst v1;
	v1 =	vld [tilespmem:s19+$0x60]  }
0x8e: {  	v2 =	vld.idx.msk [tilespmem:v2+s16+$0x0], $0xffff;
	_ =	sdelay $0x5  }
0x8f: {  	[tilespmem:s19+$0x5050] =	vst v2;
	v2 =	vld [tilespmem:s19+$0x70]  }
0x90: {  	v1 =	vld.idx.msk [tilespmem:v1+s16+$0x0], $0xffff;
	_ =	sdelay $0x5  }
0x91: {  	[tilespmem:s19+$0x5060] =	vst v1  }
0x92: {  	v1 =	vld.idx.msk [tilespmem:v2+s16+$0x0], $0xffff;
	_ =	sdelay $0x2  }
.Ltmp1:
0x93: {  	(pc) =	sbr.rel @p0 .LBB2_4-.Ltmp1, $4  }
0x94: {  	_ = 	snop  }
0x95: {  	s21 =	sshra.s32 s20, $0x2;
	s22 =	sadd.s32 $0x5000, s19;
	s23 =	sadd.s32 $0x2800, s19  }
0x96: {  	[tilespmem:s19+$0x5070] =	vst v1;
	[spmem:s2] =	stream.indirect.scatter.add.f32 [tilespmem:s22], [sflag:$0x1], $0x1, s23, s12, $0xb8  }
0x97: {  	s20 =	sadd.s32 $0x200, s20;
	s19 =	smov.u32 s21;
	v1 =	vld [tilespmem:s21+$0x0]  }
0x98: {  	_ =	sdelay $0x5  }
0x99: {  	v2 =	vld [tilespmem:s19+$0x10];
	_ =	sdelay $0x1  }
0x9a: {  	v1 =	vld.idx.msk [tilespmem:v1+s16+$0x0], $0xffff;
	_ =	sdelay $0x4  }
0x9b: {  	[tilespmem:s19+$0x5000] =	vst v1;
	v1 =	vld [tilespmem:s19+$0x20]  }
0x9c: {  	v2 =	vld.idx.msk [tilespmem:v2+s16+$0x0], $0xffff;
	_ =	sdelay $0x4  }
0x9d: {  	[tilespmem:s19+$0x5010] =	vst v2;
	v2 =	vld [tilespmem:s19+$0x30];
	_ =	sdelay $0x1  }
0x9e: {  	v1 =	vld.idx.msk [tilespmem:v1+s16+$0x0], $0xffff;
	_ =	sdelay $0x4  }
0x9f: {  	[tilespmem:s19+$0x5020] =	vst v1;
	v1 =	vld [tilespmem:s19+$0x40]  }
0xa0: {  	v2 =	vld.idx.msk [tilespmem:v2+s16+$0x0], $0xffff;
	_ =	sdelay $0x4  }
0xa1: {  	[tilespmem:s19+$0x5030] =	vst v2;
	v2 =	vld [tilespmem:s19+$0x50];
	_ =	sdelay $0x1  }
0xa2: {  	v1 =	vld.idx.msk [tilespmem:v1+s16+$0x0], $0xffff;
	_ =	sdelay $0x4  }
0xa3: {  	[tilespmem:s19+$0x5040] =	vst v1;
	v1 =	vld [tilespmem:s19+$0x60]  }
0xa4: {  	v2 =	vld.idx.msk [tilespmem:v2+s16+$0x0], $0xffff;
	_ =	sdelay $0x4  }
0xa5: {  	[tilespmem:s19+$0x5050] =	vst v2;
	v2 =	vld [tilespmem:s19+$0x70];
	_ =	sdelay $0x1  }
0xa6: {  	v1 =	vld.idx.msk [tilespmem:v1+s16+$0x0], $0xffff;
	_ =	sdelay $0x4  }
0xa7: {  	[tilespmem:s19+$0x5060] =	vst v1  }
0xa8: {  	v1 =	vld.idx.msk [tilespmem:v2+s16+$0x0], $0xffff;
	_ =	sdelay $0x4  }
0xa9: {  	s20 =	sadd.s32 $0x5000, s19;
	s21 =	sadd.s32 $0x2800, s19;
	[tilespmem:s19+$0x5070] =	vst v1  }
0xaa: {  	[spmem:s2] =	stream.indirect.scatter.add.f32 [tilespmem:s20], [sflag:$0x1], $0x1, s21, s12, $0xb8;
	[tilespmem:$0xA500] =	vst v63  }
0xab: {  	_ =	swait.ge [sflag:s15], $0x80  }
0xac: {  	s19 =	simm.s32 $0x4F;
	[sflag:s15] =	ssyncset.done $0x0  }
.LBB2_6:
0xad: {  	p0 =	sne.s32 s19, $0x1;
	s19 =	sadd.s32 $0xFFFFFFFF, s19;
	[sflag:s15] =	ssyncadd.s32 $0xFFFFFF80  }
.Ltmp2:
0xae: {  	(pc) =	sbr.rel @p0 .LBB2_6-.Ltmp2, $3  }
0xaf: {  	_ =	sdelay $0x1  }
0xb0: {  	_ =	swait.ge [sflag:s15], $0x80  }
0xb1: {  	[sflag:s15] =	ssyncset.done $0x0  }
0xb2: {  	s3 =	sadd.s32 $0x1, s3  }
0xb3: {  	[sflag:s15] =	ssyncadd.s32 $0xFFFFFF80;
	p0 =	sne.s32 s3, s8  }
.Ltmp3:
0xb4: {  	[bflag:$0x0] =	sbarrier.arrive $0xFFFF;
	(pc) =	sbr.rel @p0 .LBB2_1-.Ltmp3, $4  }
0xb5: {  	[hbm:s9], [sflag:s17] =	dma.local [spmem:s18], $0x50  }
0xb6: {  	_ =	swait.ge [sflag:s11], $0x50  }
0xb7: {  	[sflag:s11] =	ssyncset.done $0x0  }
0xb8: {  	[sflag:s11] =	ssyncadd.s32 $0xFFFFFFB0  }
0xb9: {  	_ =	sfence.sel $0x180000  }
0xba: {  	[bflag:$0x0] =	sbarrier.arrive $0xFFFF  }
0xbb: {  	p0 =	sne.s32 s0, $0x0;
	_ =	strace $0x9000004A  }
0xbc: {  	s0 =	sadd.s32 @!p0 $0x100000, s1;
	[bflag:$0x2] =	sbarrier.arrive $0xFFFF  }
0xbd: {  	[sflag:s0] =	ssyncadd.tile.s32 @!p0 $0x1;
	_ =	shalt  }
.Lfunc_end2:
_tile_overlayer_lowered:
.L_overlay_start_2:
0xbe: {  	(tag) =	ssettag $0x2  }
0xbf: {  	s0 =	rddreg [dreg:$0x0];
	s2 =	stileid.u32  }
0xc0: {  	s1 =	rddreg [dreg:$0x1];
	p0 =	sne.s32 s2, $0x0  }
0xc1: {  	s3 =	rddreg [dreg:$0x2];
	[bflag:$0x3] =	sbarrier.arrive $0xFFFF;
	s2 =	simm.s32 @!p0 $0x1C02  }
0xc2: {  	[timem:s3], [sflag:s2] =	dma.local @!p0 [hbm:s0], s1  }
0xc3: {  	s0 =	simm.s32 @!p0 $0x2  }
0xc4: {  	_ =	swait.ge @!p0 [sflag:s0], s1  }
0xc5: {  	s1 =	ssub.s32 @!p0 $0x0, s1;
	[sflag:s0] =	ssyncset.done @!p0 $0x0  }
0xc6: {  	[sflag:s0] =	ssyncadd.s32 @!p0 s1  }
0xc7: {  	[bflag:$0x3] =	sbarrier.arrive $0xFFFF  }
0xc8: {  	_ =	shalt  }

// kernel: kernel.7.cloned.1.call-start
scs
__scs_entry_jumppad:
0x0: {  	(pc) =	sbr.rel $0x88, $3  }
0x1: {  	(tag) =	ssettag $0x0;
	lr =	simm.s32 $0x1  }
0x2: {  	[smem:$0x3F98] =	sst lr;
	_ =	strace $0xD0000000  }
0x3: {  	_ = 	snop  }
0x4: {  	_ = 	snop  }
0x5: {  	_ = 	snop  }
0x6: {  	_ = 	snop  }
0x7: {  	_ = 	snop  }
__scs_overlays_trampoline_lowered:
0x8: {  	[smem:$0x3FA7] =	sst s0  }
0x9: {  	[smem:$0x3FA8] =	sst s1  }
0xa: {  	[smem:$0x3FA9] =	sst s2  }
0xb: {  	[smem:$0x3FAA] =	sst s3  }
0xc: {  	[smem:$0x3FAB] =	sst s4  }
0xd: {  	[smem:$0x3FAC] =	sst s5  }
0xe: {  	[smem:$0x3FAD] =	sst s6  }
0xf: {  	[smem:$0x3FAE] =	sst s7  }
0x10: {  	[smem:$0x3FAF] =	sst s8  }
0x11: {  	[smem:$0x3FB0] =	sst s9;
	s0 =	simm.s32 @!p0 $0x0  }
0x12: {  	s1 =	sld [smem:$0x3F96];
	s0 =	simm.s32 @p0 $0x1  }
0x13: {  	[smem:$0x3FB1] =	sst s0;
	s0 =	simm.s32 @!p1 $0x0  }
0x14: {  	s2 =	sld [smem:$0x3F95];
	s0 =	simm.s32 @p1 $0x1  }
0x15: {  	[smem:$0x3FB2] =	sst s0;
	s0 =	simm.s32 @!p2 $0x0  }
0x16: {  	s3 =	sld [smem:$0x3FDB];
	s0 =	simm.s32 @p2 $0x1  }
0x17: {  	s4 =	simm.s32 $0x1BF5;
	[smem:$0x3FB4] =	sst s0  }
0x18: {  	s0 =	sld [smem:$0x3F97];
	_ =	swait.ge [sflag:s4], $0x0  }
0x19: {  	s7 =	sld [smem:$0x3F98]  }
0x1a: {  	s8 =	sadd.s32 $0xFFFFE003, lr  }
0x1b: {  	s9 =	sadd.s32 $0xFFFFFEF7, lr;
	s5 =	simm.s32 $0xFFFFFFFF;
	p2 =	slt.u32 s8, $0xFFFFF086  }
0x1c: {  	p1 =	slt.u32 s9, $0xF7A;
	s5 =	simm.s32 @!p2 $0x0  }
0x1d: {  	s5 =	simm.s32 @p1 $0x1;
	p0 =	seq.s32 s7, s2  }
0x1e: {  	s7 =	smul.u32 @!p0 $0xF7A, s2;
	p2 =	seq.s32 @!p0 s5, $0x0  }
0x1f: {  	s9 =	smul.u32 $0xF7A, s1;
	s8 =	simm.s32 @!p0 $0x1BF5;
	p2 =	por !p2, p0  }
0x20: {  	[sflag:s8] =	ssyncset.s32 @!p0 $0xFFFFF086;
	s6 =	sadd.s32 @!p0 s3, s7;
	s7 =	simm.s32 @!p0 $0x108  }
0x21: {  	s3 =	sadd.s32 s3, s9;
	s6 =	sadd.s32 @!p0 $0x88, s6;
	s7 =	simm.s32 @p2 $0x1082  }
0x22: {  	[simem:s7], [sflag:s8] =	dma.local @!p0 [hbm:s6], $0xF7A  }
0x23: {  	s9 =	sor.u32 $0xD0000000, s2;
	s6 =	simm.s32 $0x108;
	_ =	swait.ge @!p0 [sflag:s8], $0x0  }
0x24: {  	s3 =	sadd.s32 $0x88, s3;
	s6 =	simm.s32 @!p1 $0x1082;
	[sflag:s4] =	ssyncset.s32 $0xFFFFF086  }
0x25: {  	[simem:s6], [sflag:s4] =	dma.local [hbm:s3], $0xF7A  }
0x26: {  	[smem:$0x3F98] =	sst s1;
	(tag) =	ssettag s2;
	_ =	strace s9  }
0x27: {  	s1 =	sld [smem:$0x3FA8]  }
0x28: {  	s2 =	sld [smem:$0x3FA9]  }
0x29: {  	s4 =	sld [smem:$0x3FAB]  }
0x2a: {  	p0 =	seq.s32 s5, $0x0;
	s5 =	sld [smem:$0x3FAC]  }
0x2b: {  	s6 =	sld [smem:$0x3FAD]  }
0x2c: {  	s7 =	sld [smem:$0x3FAE]  }
0x2d: {  	s3 =	simm.s32 $0x108;
	s8 =	sld [smem:$0x3FAF]  }
0x2e: {  	s3 =	simm.s32 @!p0 $0x1082;
	s9 =	sld [smem:$0x3FB0]  }
0x2f: {  	lr =	sadd.s32 s0, s3;
	s0 =	sld [smem:$0x3FA7]  }
0x30: {  	s3 =	sld [smem:$0x3FAA]  }
0x31: {  	[smem:$0x3FB3] =	sst s10  }
0x32: {  	s10 =	sld [smem:$0x3FB1];
	_ =	sdelay $0x3  }
0x33: {  	p0 =	seq.s32 s10, $0x1;
	s10 =	sld [smem:$0x3FB3];
	_ =	sdelay $0x3  }
0x34: {  	[smem:$0x3FB3] =	sst s10  }
0x35: {  	s10 =	sld [smem:$0x3FB2];
	_ =	sdelay $0x3  }
0x36: {  	p1 =	seq.s32 s10, $0x1;
	s10 =	sld [smem:$0x3FB3];
	_ =	sdelay $0x3  }
0x37: {  	[smem:$0x3FB3] =	sst s10  }
0x38: {  	s10 =	sld [smem:$0x3FB4]  }
0x39: {  	_ = 	snop;
	(pc) =	sbr.ind lr, $3  }
0x3a: {  	_ = 	snop  }
0x3b: {  	_ = 	snop  }
0x3c: {  	p2 =	seq.s32 s10, $0x1;
	s10 =	sld [smem:$0x3FB3]  }
0x3d: {  	_ =	shalt  }
0x3e: {  	_ =	shalt  }
0x3f: {  	_ =	shalt  }
0x40: {  	_ =	shalt  }
0x41: {  	_ =	shalt  }
0x42: {  	_ =	shalt  }
0x43: {  	_ =	shalt  }
0x44: {  	_ =	shalt  }
0x45: {  	_ =	shalt  }
0x46: {  	_ =	shalt  }
0x47: {  	_ =	shalt  }
0x48: {  	_ =	shalt  }
0x49: {  	_ =	shalt  }
0x4a: {  	_ =	shalt  }
0x4b: {  	_ =	shalt  }
0x4c: {  	_ =	shalt  }
0x4d: {  	_ =	shalt  }
0x4e: {  	_ =	shalt  }
0x4f: {  	_ =	shalt  }
0x50: {  	_ =	shalt  }
0x51: {  	_ =	shalt  }
0x52: {  	_ =	shalt  }
0x53: {  	_ =	shalt  }
0x54: {  	_ =	shalt  }
0x55: {  	_ =	shalt  }
0x56: {  	_ =	shalt  }
0x57: {  	_ =	shalt  }
0x58: {  	_ =	shalt  }
0x59: {  	_ =	shalt  }
0x5a: {  	_ =	shalt  }
0x5b: {  	_ =	shalt  }
0x5c: {  	_ =	shalt  }
0x5d: {  	_ =	shalt  }
0x5e: {  	_ =	shalt  }
0x5f: {  	_ =	shalt  }
0x60: {  	_ =	shalt  }
0x61: {  	_ =	shalt  }
0x62: {  	_ =	shalt  }
0x63: {  	_ =	shalt  }
0x64: {  	_ =	shalt  }
0x65: {  	_ =	shalt  }
0x66: {  	_ =	shalt  }
0x67: {  	_ =	shalt  }
0x68: {  	_ =	shalt  }
0x69: {  	_ =	shalt  }
0x6a: {  	_ =	shalt  }
0x6b: {  	_ =	shalt  }
0x6c: {  	_ =	shalt  }
0x6d: {  	_ =	shalt  }
0x6e: {  	_ =	shalt  }
0x6f: {  	_ =	shalt  }
0x70: {  	_ =	shalt  }
0x71: {  	_ =	shalt  }
0x72: {  	_ =	shalt  }
0x73: {  	_ =	shalt  }
0x74: {  	_ =	shalt  }
0x75: {  	_ =	shalt  }
0x76: {  	_ =	shalt  }
0x77: {  	_ =	shalt  }
0x78: {  	_ =	shalt  }
0x79: {  	_ =	shalt  }
0x7a: {  	_ =	shalt  }
0x7b: {  	_ =	shalt  }
0x7c: {  	_ =	shalt  }
0x7d: {  	_ =	shalt  }
0x7e: {  	_ =	shalt  }
0x7f: {  	_ =	shalt  }
0x80: {  	_ =	shalt  }
0x81: {  	_ =	shalt  }
0x82: {  	_ =	shalt  }
0x83: {  	_ =	shalt  }
0x84: {  	_ =	shalt  }
0x85: {  	_ =	shalt  }
0x86: {  	_ =	shalt  }
0x87: {  	_ =	shalt  }
.Lfunc_end0:
.L_simem_size_0:
called_computation_lowered:
.L_overlay_start_0:
0x88: {  	s2 =	sld [smem:$0x3FD9]  }
0x89: {  	s3 =	sld [smem:$0x3FFE];
	_ =	sdelay $0x1  }
0x8a: {  	s1 =	srdreg.scid  }
0x8b: {  	s0 =	sand.u32 $0x1, s1  }
0x8c: {  	s17 =	sshll.u32 s0, $0xA;
	s2 =	sadd.s32 s3, s2  }
0x8d: {  	s2 =	sadd.s32 s2, s17  }
0x8e: {  	[smem:$0x3FBF] =	sst s2  }
0x8f: {  	_ = 	snop  }
0x90: {  	s2 =	sld [smem:$0x3FD0];
	(tm) =	ssettm $0x1  }
0x91: {  	s18 =	sld [smem:$0x3FFB];
	_ =	sdelay $0x3  }
0x92: {  	_ =	strace s18  }
0x93: {  	s3 =	sld [smem:$0x3FFC];
	_ =	sdelay $0x3  }
0x94: {  	_ =	strace s3  }
0x95: {  	s3 =	sld [smem:$0x3FFD];
	_ =	sdelay $0x3  }
0x96: {  	_ =	strace s3  }
0x97: {  	_ =	strace $0x8FFFFFFF  }
0x98: {  	s19 =	sld [smem:$0x3FDB];
	_ =	sdelay $0x1  }
0x99: {  	s4 =	simm.s32 $_scs_section_size  }
0x9a: {  	s5 =	simm.s32 $_size__tile_overlayer_lowered;
	s6 =	simm.s32 $_tile_overlayer_lowered  }
0x9b: {  	s22 =	simm.s32 $0x1BFF;
	s21 =	sshll.u32 s6, $0x1;
	s3 =	sadd.s32 s4, s19  }
0x9c: {  	s7 =	simm.s32 $0x0;
	s20 =	sshll.u32 s5, $0x1;
	s5 =	sadd.s32 s21, s3  }
0x9d: {  	[timem:s7], [sflag:s22] =	dma.local [hbm:s5], s20  }
0x9e: {  	_ =	swait.ge [sflag:s22], s20  }
0x9f: {  	s4 =	ssub.s32 $0x0, s20;
	[sflag:s22] =	ssyncset.done $0x0  }
0xa0: {  	[sflag:s22] =	ssyncadd.s32 s4;
	_ =	sdelay $0x1  }
0xa1: {  	s23 =	simm.s32 $0x1B8B  }
0xa2: {  	_ =	swait.ge [sflag:s23], $0x1  }
0xa3: {  	[sflag:s23] =	ssyncset.done $0x0  }
0xa4: {  	s25 =	simm.s32 $0x1B8E;
	s24 =	sld [smem:$0x3FFE];
	[sflag:s23] =	ssyncadd.s32 $0xFFFFFFFF  }
0xa5: {  	s26 =	simm.s32 $execute0_lowered;
	[smem:$0x3FD2] =	sst s25  }
0xa6: {  	s5 =	sshll.u32 s26, $0x1;
	_ =	strace $0x80000046;
	[dreg:$0x1] =	wrdreg $0xFFFFFFFF  }
0xa7: {  	s28 =	simm.s32 $_size_execute0_lowered;
	s3 =	sadd.s32 s3, s5;
	[dreg:$0x0] =	wrdreg $0x0  }
0xa8: {  	s5 =	sshll.u32 s28, $0x1;
	[dreg:$0x2] =	wrdreg s3  }
0xa9: {  	[dreg:$0x3] =	wrdreg s5  }
0xaa: {  	[dreg:$0x4] =	wrdreg $0xC0  }
0xab: {  	_ =	task [dreg:s7], $0x5FFFF  }
0xac: {  	[dreg:$0x1] =	wrdreg $0xFFFFFFFF  }
0xad: {  	[dreg:$0x0] =	wrdreg $0x60  }
0xae: {  	[dreg:$0x2] =	wrdreg s24  }
0xaf: {  	[dreg:$0x3] =	wrdreg s2  }
0xb0: {  	[dreg:$0x4] =	wrdreg $0x2B000  }
0xb1: {  	[dreg:$0x5] =	wrdreg $0x9  }
0xb2: {  	_ =	task.clear_ibuf [dreg:s7], $0x6FFFF;
	_ =	strace $0x90000046  }
0xb3: {  	s29 =	simm.s32 $0x9;
	_ =	strace $0x80000048  }
0xb4: {  	_ =	swait.ge [sflag:s29], $0x1  }
0xb5: {  	[sflag:s29] =	ssyncadd.s32 $0xFFFFFFFF  }
0xb6: {  	_ =	strace $0x90000048  }
0xb7: {  	_ =	sfence  }
0xb8: {  	s30 =	sld [smem:$0x0];
	_ =	sdelay $0x2  }
0xb9: {  	s31 =	sshll.u32 s1, $0xD;
	s1 =	sshrl.u32 s1, $0x2  }
0xba: {  	s3 =	sand.u32 $0x4000, s31;
	s1 =	sadd.s32 s1, s30  }
0xbb: {  	s0 =	sor.u32 s3, s0;
	s1 =	sshll.u32 s1, $0x11  }
0xbc: {  	s0 =	sor.u32 s1, s0  }
0xbd: {  	s0 =	sadd.s32 $0x8F2B, s0  }
0xbe: {  	[sflag:s0] =	ssyncadd.remote.s32 $0x1  }
0xbf: {  	_ =	sfence.sel $0xFFFF  }
0xc0: {  	[dreg:$0x0] =	wrdreg $0xFFFFFFFF;
	(pc) =	sbr.abs _section_cstart, $3  }
0xc1: {  	[dreg:$0x1] =	wrdreg $0xFFFFFFFF  }
0xc2: {  	_ =	task.clear_ibuf [dreg:s7], $0x2FFFF;
	_ =	strace $0x9FFFFFFF  }
0xc3: {  	(tm) =	ssettm $0x7FFFFFFF  }
tec
execute0_lowered:
.L_overlay_start_1:
0x0: {  	(tag) =	ssettag $0x1  }
0x1: {  	s5 =	rddreg [dreg:$0x0]  }
0x2: {  	s7 =	rddreg [dreg:$0x1]  }
0x3: {  	s1 =	rddreg [dreg:$0x2]  }
0x4: {  	s2 =	srdreg.scid;
	s0 =	rddreg [dreg:$0x3];
	s3 =	simm.s32 $0x0  }
0x5: {  	s15 =	simm.s32 $0x0;
	s6 =	sand.u32 $0x1, s2;
	s2 =	stileid.u32  }
0x6: {  	[smem:$0x7FF] =	sst s3;
	s12 =	sadd.s32 $0x16A00, s5;
	s4 =	sshll.u32 s6, $0x4  }
0x7: {  	s8 =	ssub.s32 $0x2, s6;
	s9 =	smul.u32 $0x280, s2;
	_ =	strace $0x80000047  }
0x8: {  	p0 =	seq.s32 s6, $0x1;
	s13 =	sshll.u32 s2, $0x6;
	s4 =	sor.u32 s2, s4  }
0x9: {  	s10 =	sshrl.u32 s8, $0x1;
	s7 =	smov.u32 @p0 s12;
	s12 =	simm.s32 $0x1  }
0xa: {  	s13 =	sor.u32 $0x1C02, s13;
	s11 =	smul.u32 $0x2800, s4;
	s8 =	ssub.s32 s8, s10  }
0xb: {  	s4 =	sadd.s32 s9, s1;
	s9 =	sshrl.u32 s9, $0x3;
	s10 =	simm.s32 $0x80  }
0xc: {  	s6 =	smax.u32 s8, $0x1;
	s7 =	sadd.s32 s7, s9;
	s31 =	sshrl.u32 s11, $0x3  }
0xd: {  	s8 =	simm.s32 $0x2880;
	s9 =	simm.s32 $0x2;
	s5 =	sadd.s32 s5, s31  }
0xe: {  	v0 =	vimm.f32 $1.000000000e+00;
	v1 =	vimm.f32 $0.0e+00;
	s14 =	sshrl.u32 s4, $0x3;
	s11 =	simm.s32 $0x2800;
	s5 =	sadd.s32 $0xCA00, s5  }
.LBB2_1:
0xf: {  	[tilespmem:$0x2800] =	vst v0  }
0x10: {  	[tilespmem:$0x2810] =	vst v0  }
0x11: {  	[tilespmem:$0x2820] =	vst v0  }
0x12: {  	[tilespmem:$0x2830] =	vst v0  }
0x13: {  	[tilespmem:$0x2840] =	vst v0  }
0x14: {  	[tilespmem:$0x2850] =	vst v0  }
0x15: {  	[tilespmem:$0x2860] =	vst v0  }
0x16: {  	[tilespmem:$0x2870] =	vst v0  }
0x17: {  	[tilespmem:$0x2880] =	vst v1  }
0x18: {  	[tilespmem:$0x2890] =	vst v1  }
0x19: {  	[tilespmem:$0x28A0] =	vst v1  }
0x1a: {  	[tilespmem:$0x28B0] =	vst v1  }
0x1b: {  	[tilespmem:$0x28C0] =	vst v1  }
0x1c: {  	[tilespmem:$0x28D0] =	vst v1  }
0x1d: {  	[tilespmem:$0x28E0] =	vst v1  }
0x1e: {  	[tilespmem:$0x28F0] =	vst v1  }
0x1f: {  	[tilespmem:$0x2900] =	vst v1  }
0x20: {  	[tilespmem:$0x2910] =	vst v1  }
0x21: {  	[tilespmem:$0x2920] =	vst v1  }
0x22: {  	[tilespmem:$0x2930] =	vst v1  }
0x23: {  	[tilespmem:$0x2940] =	vst v1  }
0x24: {  	[tilespmem:$0x2950] =	vst v1  }
0x25: {  	[tilespmem:$0x2960] =	vst v1  }
0x26: {  	[tilespmem:$0x2970] =	vst v1  }
0x27: {  	[tilespmem:$0x2980] =	vst v1  }
0x28: {  	[tilespmem:$0x2990] =	vst v1  }
0x29: {  	[tilespmem:$0x29A0] =	vst v1  }
0x2a: {  	[tilespmem:$0x29B0] =	vst v1  }
0x2b: {  	[tilespmem:$0x29C0] =	vst v1  }
0x2c: {  	[tilespmem:$0x29D0] =	vst v1  }
0x2d: {  	[tilespmem:$0x29E0] =	vst v1  }
0x2e: {  	[tilespmem:$0x29F0] =	vst v1  }
0x2f: {  	[tilespmem:$0x2A00] =	vst v1  }
0x30: {  	[tilespmem:$0x2A10] =	vst v1  }
0x31: {  	[tilespmem:$0x2A20] =	vst v1  }
0x32: {  	[tilespmem:$0x2A30] =	vst v1  }
0x33: {  	[tilespmem:$0x2A40] =	vst v1  }
0x34: {  	[tilespmem:$0x2A50] =	vst v1  }
0x35: {  	[tilespmem:$0x2A60] =	vst v1  }
0x36: {  	[tilespmem:$0x2A70] =	vst v1  }
0x37: {  	[tilespmem:$0x2A80] =	vst v1  }
0x38: {  	[tilespmem:$0x2A90] =	vst v1  }
0x39: {  	[tilespmem:$0x2AA0] =	vst v1  }
0x3a: {  	[tilespmem:$0x2AB0] =	vst v1  }
0x3b: {  	[tilespmem:$0x2AC0] =	vst v1  }
0x3c: {  	[tilespmem:$0x2AD0] =	vst v1  }
0x3d: {  	[tilespmem:$0x2AE0] =	vst v1  }
0x3e: {  	[tilespmem:$0x2AF0] =	vst v1  }
0x3f: {  	[spmem:s4] =	stream.linear.scatter [tilespmem:s8], [sflag:$0x2], $0x280, $0x38;
	[tilespmem:$0x2D80] =	vst v63  }
0x40: {  	_ =	swait.ge [sflag:s9], $0x280  }
0x41: {  	[sflag:s9] =	ssyncset.done $0x0  }
0x42: {  	[sflag:s9] =	ssyncadd.s32 $0xFFFFFD80  }
0x43: {  	[tilespmem:s3], [sflag:$0x2] =	stream.linear.gather [hbm4b:s5+s3], $0x2800, $0x38;
	[tilespmem:$0x2D80] =	vst v63  }
0x44: {  	_ =	swait.ge [sflag:s9], $0x2800  }
0x45: {  	[sflag:s9] =	ssyncset.done $0x0  }
0x46: {  	[sflag:s9] =	ssyncadd.s32 $0xFFFFD800  }
0x47: {  	s16 =	simm.s32 $0x0;
	[bflag:$0x0] =	sbarrier.arrive $0xFFFF  }
.LBB2_2:
0x48: {  	p0 =	sne.s32 s16, $0x9E00  }
.Ltmp0:
0x49: {  	_ = 	snop;
	(pc) =	sbr.rel @p0 .LBB2_2-.Ltmp0, $3  }
0x4a: {  	_ =	sdelay $0x1  }
0x4b: {  	s17 =	sshra.s32 s16, $0x2;
	s16 =	sadd.s32 $0x200, s16  }
0x4c: {  	[spmem:s1] =	stream.indirect.scatter.add.f32 [tilespmem:s11], [sflag:$0x1], $0x1, s17, s10, $0xb8;
	[tilespmem:$0x2D80] =	vst v63  }
0x4d: {  	_ =	swait.ge [sflag:s12], $0x80  }
0x4e: {  	s16 =	simm.s32 $0x4F;
	[sflag:s12] =	ssyncset.done $0x0  }
.LBB2_4:
0x4f: {  	p0 =	sne.s32 s16, $0x1;
	s16 =	sadd.s32 $0xFFFFFFFF, s16;
	[sflag:s12] =	ssyncadd.s32 $0xFFFFFF80  }
.Ltmp1:
0x50: {  	(pc) =	sbr.rel @p0 .LBB2_4-.Ltmp1, $3  }
0x51: {  	_ =	sdelay $0x1  }
0x52: {  	_ =	swait.ge [sflag:s12], $0x80  }
0x53: {  	[sflag:s12] =	ssyncset.done $0x0  }
0x54: {  	s15 =	sadd.s32 $0x1, s15  }
0x55: {  	[sflag:s12] =	ssyncadd.s32 $0xFFFFFF80;
	p0 =	sne.s32 s15, s6  }
.Ltmp2:
0x56: {  	[bflag:$0x0] =	sbarrier.arrive $0xFFFF;
	(pc) =	sbr.rel @p0 .LBB2_1-.Ltmp2, $4  }
0x57: {  	[hbm:s7], [sflag:s13] =	dma.local [spmem:s14], $0x50  }
0x58: {  	_ =	swait.ge [sflag:s9], $0x50  }
0x59: {  	[sflag:s9] =	ssyncset.done $0x0  }
0x5a: {  	[sflag:s9] =	ssyncadd.s32 $0xFFFFFFB0  }
0x5b: {  	_ =	sfence.sel $0x180000  }
0x5c: {  	[bflag:$0x0] =	sbarrier.arrive $0xFFFF  }
0x5d: {  	p0 =	sne.s32 s2, $0x0;
	_ =	strace $0x90000047  }
0x5e: {  	s0 =	sadd.s32 @!p0 $0x100000, s0;
	[bflag:$0x2] =	sbarrier.arrive $0xFFFF  }
0x5f: {  	[sflag:s0] =	ssyncadd.tile.s32 @!p0 $0x1;
	_ =	shalt  }
.Lfunc_end2:
_tile_overlayer_lowered:
.L_overlay_start_2:
0x60: {  	(tag) =	ssettag $0x2  }
0x61: {  	s0 =	rddreg [dreg:$0x0];
	s2 =	stileid.u32  }
0x62: {  	s1 =	rddreg [dreg:$0x1];
	p0 =	sne.s32 s2, $0x0  }
0x63: {  	s3 =	rddreg [dreg:$0x2];
	[bflag:$0x3] =	sbarrier.arrive $0xFFFF;
	s2 =	simm.s32 @!p0 $0x1C02  }
0x64: {  	[timem:s3], [sflag:s2] =	dma.local @!p0 [hbm:s0], s1  }
0x65: {  	s0 =	simm.s32 @!p0 $0x2  }
0x66: {  	_ =	swait.ge @!p0 [sflag:s0], s1  }
0x67: {  	s1 =	ssub.s32 @!p0 $0x0, s1;
	[sflag:s0] =	ssyncset.done @!p0 $0x0  }
0x68: {  	[sflag:s0] =	ssyncadd.s32 @!p0 s1  }
0x69: {  	[bflag:$0x3] =	sbarrier.arrive $0xFFFF  }
0x6a: {  	_ =	shalt  }

</sc_bundles>
